<compile_context>
chip_gen: v7x
topology: tpu7x:2x2x1
jax: 0.10.2.dev20260603
libtpu: 0.0.44.dev20260713+nightly
codegen_flags: <defaults>
</compile_context>

<pallas_src>
import jax
import jax.numpy as jnp
from jax import lax
from jax.experimental import pallas as pl
from jax.experimental.pallas import tpu as pltpu
from jax.experimental.pallas import tpu_sc as plsc

N = 50000
E = 800000
HD = 512
LD = 16
EMB = 32
HID = 64
OUT = 40
EPS = 1e-5

BN_ROWS = 5000
NBLK = N // BN_ROWS

NSC = 2
NSUB = 16
DEGW = 16
NP = 50176
DSTRIPE = NP // NSUB
DCH = 1000
DSPAN = E // (NSC * NSUB)

MCH = 400
MSPANC = E // (NSUB * MCH)
MSTRIPE = N // NSUB
ZROWS = 125



def _stats_body(hi_ref, lo_ref, sh_ref, sl_ref):
    i = pl.program_id(0)

    @pl.when(i == 0)
    def _():
        sh_ref[...] = jnp.zeros_like(sh_ref)
        sl_ref[...] = jnp.zeros_like(sl_ref)

    hi = hi_ref[...]
    lo = lo_ref[:, 0, 0, :]
    sh_ref[0, :] += jnp.sum(hi, axis=0)
    sh_ref[1, :] += jnp.sum(hi * hi, axis=0)
    sl_ref[0, :] += jnp.sum(lo, axis=1)
    sl_ref[1, :] += jnp.sum(lo * lo, axis=1)


def _embed_body(hi_ref, lo_ref, wh_ref, bh_ref, wl_ref, bl_ref, y_ref, sy_ref):
    i = pl.program_id(0)

    @pl.when(i == 0)
    def _():
        sy_ref[...] = jnp.zeros_like(sy_ref)

    yh = jnp.maximum(
        jnp.dot(hi_ref[...], wh_ref[...], preferred_element_type=jnp.float32)
        + bh_ref[0, :], 0.0)
    lo = lo_ref[:, 0, 0, :]
    yl = jnp.maximum(
        lax.dot_general(lo, wl_ref[...], (((0,), (0,)), ((), ())),
                        preferred_element_type=jnp.float32)
        + bl_ref[0, :], 0.0)
    y = jnp.concatenate([yh, yl], axis=1)
    y_ref[...] = y
    sy_ref[0, :] += jnp.sum(y, axis=0)
    sy_ref[1, :] += jnp.sum(y * y, axis=0)


def _dinv_col(deg_ref):
    d = jnp.reshape(deg_ref[0, 0, :], (BN_ROWS, 1))
    return lax.rsqrt(1.0 + d)


def _project_body(y_ref, sy_ref, ty_ref, deg_ref, g_ref):
    u = y_ref[...] * sy_ref[0, :] + ty_ref[0, :]
    g = u * _dinv_col(deg_ref)
    g_ref[...] = jnp.concatenate([g, jnp.zeros_like(g)], axis=1)


def _final_body(a_ref, g_ref, deg_ref, w2_ref, bg_ref, wc_ref, bc_ref, o_ref):
    t = _dinv_col(deg_ref) * (a_ref[:, :HID] + g_ref[:, :HID])
    z = jnp.tanh(
        jnp.dot(t, w2_ref[...], preferred_element_type=jnp.float32)
        + bg_ref[0, :])
    logits = jnp.dot(z, wc_ref[...], preferred_element_type=jnp.float32)
    logits = logits + bc_ref[0, :]
    m = jnp.max(logits, axis=1, keepdims=True)
    lse = m + jnp.log(jnp.sum(jnp.exp(logits - m), axis=1, keepdims=True))
    o_ref[...] = logits - lse



def _sc_mesh():
    return plsc.VectorSubcoreMesh(core_axis_name="c", subcore_axis_name="s")


_SC_PARAMS_NL = pltpu.CompilerParams(use_tc_tiling_on_sc=False,
                                     needs_layout_passes=False)


def _degree_sc(ei_flat):

    @pl.kernel(
        out_type=jax.ShapeDtypeStruct((NSC, NP), jnp.float32),
        mesh=_sc_mesh(),
        scratch_types=[
            pltpu.VMEM_SHARED((NP, DEGW), jnp.float32),
            pltpu.VMEM((DCH,), jnp.int32),
            pltpu.VMEM((DCH, DEGW), jnp.float32),
            pltpu.VMEM((DSTRIPE, DEGW), jnp.float32),
            pltpu.VMEM((DSTRIPE,), jnp.float32),
        ],
        compiler_params=_SC_PARAMS_NL,
    )
    def deg_kernel(ei_hbm, deg_hbm, deg_s, cidx, ones_t, stripe_t, out1d):
        c = lax.axis_index("c")
        s = lax.axis_index("s")

        @pl.loop(0, DCH)
        def _(i):
            ones_t[i, :] = jnp.ones((DEGW,), jnp.float32)

        @pl.loop(0, DSTRIPE)
        def _(i):
            stripe_t[i, :] = jnp.zeros((DEGW,), jnp.float32)

        pltpu.sync_copy(stripe_t, deg_s.at[pl.ds(s * DSTRIPE, DSTRIPE)])
        plsc.subcore_barrier()

        w = c * NSUB + s

        @pl.loop(0, DSPAN // DCH)
        def _(j):
            base = E + w * DSPAN + j * DCH
            pltpu.sync_copy(ei_hbm.at[pl.ds(base, DCH)], cidx)
            pltpu.sync_copy(ones_t, deg_s.at[cidx], add=True)

        plsc.subcore_barrier()

        pltpu.sync_copy(deg_s.at[pl.ds(s * DSTRIPE, DSTRIPE)], stripe_t)
        lane0 = jnp.zeros((16,), jnp.int32)
        rowi = lax.iota(jnp.int32, 16)

        @pl.loop(0, DSTRIPE, step=16)
        def _(r):
            v = plsc.load_gather(stripe_t, [rowi + r, lane0])
            out1d[pl.ds(r, 16)] = v

        pltpu.sync_copy(out1d, deg_hbm.at[c, pl.ds(s * DSTRIPE, DSTRIPE)])

    return deg_kernel(ei_flat)


def _message_sc(g128, ei_flat):

    @pl.kernel(
        out_type=jax.ShapeDtypeStruct((N, 4 * EMB), jnp.float32),
        mesh=_sc_mesh(),
        scratch_types=[
            pltpu.VMEM_SHARED((N, EMB), jnp.float32),
            pltpu.VMEM((2, MCH), jnp.int32),
            pltpu.VMEM((2, MCH), jnp.int32),
            pltpu.VMEM((MCH, EMB), jnp.float32),
            pltpu.VMEM((MCH, EMB), jnp.float32),
            pltpu.SemaphoreType.DMA,
            pltpu.SemaphoreType.DMA,
            pltpu.SemaphoreType.DMA,
            pltpu.SemaphoreType.DMA,
        ],
        compiler_params=_SC_PARAMS_NL,
    )
    def msg_kernel(gview, ei_hbm, a_hbm,
                   acc_s, ib0, ib1, msg0, msg1,
                   is0, is1, gs0, gs1):
        c = lax.axis_index("c")
        s = lax.axis_index("s")

        @pl.loop(0, ZROWS)
        def _(i):
            msg0[i, pl.ds(0, 16)] = jnp.zeros((16,), jnp.float32)
            msg0[i, pl.ds(16, 16)] = jnp.zeros((16,), jnp.float32)

        @pl.loop(0, MSTRIPE // ZROWS)
        def _(k):
            pltpu.sync_copy(
                msg0.at[pl.ds(0, ZROWS)],
                acc_s.at[pl.ds(s * MSTRIPE + k * ZROWS, ZROWS)])

        plsc.subcore_barrier()

        def run():
            bufs = ((ib0, msg0, is0, gs0), (ib1, msg1, is1, gs1))
            base0 = s * MSPANC * MCH

            def idx_descs(j, b):
                ib = bufs[b][0]
                isem = bufs[b][2]
                base = base0 + j * MCH
                return (pltpu.make_async_copy(
                            ei_hbm.at[pl.ds(base, MCH)], ib.at[0], isem),
                        pltpu.make_async_copy(
                            ei_hbm.at[pl.ds(E + base, MCH)], ib.at[1], isem))

            def start_idx(j, b):
                d0, d1 = idx_descs(j, b)
                d0.start()
                d1.start()

            def start_gather(j, b):
                ib, msg, isem, gsem = bufs[b]
                d0, d1 = idx_descs(j, b)
                d0.wait()
                d1.wait()

                @pl.loop(0, MCH, step=16)
                def _(k):
                    v = ib[0, pl.ds(k, 16)]
                    ib[0, pl.ds(k, 16)] = v * 4 + c

                pltpu.async_copy(gview.at[ib.at[0]], msg, gsem)

            def drain(b):
                ib, msg, isem, gsem = bufs[b]
                pltpu.make_async_copy(gview.at[ib.at[0]], msg, gsem).wait()
                pltpu.sync_copy(msg, acc_s.at[ib.at[1]], add=True)

            start_idx(0, 0)
            start_idx(1, 1)

            @pl.loop(0, (MSPANC - 1) // 2)
            def _(i):
                start_gather(2 * i, 0)
                start_gather(2 * i + 1, 1)
                drain(0)
                start_idx(2 * i + 2, 0)
                drain(1)

                @pl.when(2 * i + 3 < MSPANC)
                def _():
                    start_idx(2 * i + 3, 1)

            start_gather(MSPANC - 1, 0)
            drain(0)

            plsc.subcore_barrier()
            stripe = pl.ds(s * MSTRIPE, MSTRIPE)
            pltpu.sync_copy(acc_s.at[stripe],
                            a_hbm.at[stripe, pl.ds(EMB * c, EMB)])

        run()

    return msg_kernel(g128.reshape(4 * N, EMB), ei_flat)



def _fold(gamma, beta, s1, s2):
    m = s1 / N
    v = s2 / N - m * m
    s = gamma * lax.rsqrt(v + EPS)
    return s, beta - m * s


def kernel(high_dim_features, low_dim_features, edge_index,
           bn_low_g, bn_low_b, bn_high_g, bn_high_b,
           W_low, b_low, mlp_low_g, mlp_low_b,
           W_high, b_high, mlp_high_g, mlp_high_b,
           W_gcn, b_gcn, W_cls, b_cls):
    ei_flat = edge_index.reshape(2 * E)
    lowT = low_dim_features.T.reshape(LD, NBLK, 1, BN_ROWS)

    degp = _degree_sc(ei_flat)
    deg3 = (degp[0, :N] + degp[1, :N]).reshape(NBLK, 1, BN_ROWS)

    sh, sl = pl.pallas_call(
        _stats_body,
        grid=(NBLK,),
        in_specs=[
            pl.BlockSpec((BN_ROWS, HD), lambda i: (i, 0)),
            pl.BlockSpec((LD, 1, 1, BN_ROWS), lambda i: (0, i, 0, 0)),
        ],
        out_specs=[
            pl.BlockSpec((8, HD), lambda i: (0, 0)),
            pl.BlockSpec((8, LD), lambda i: (0, 0)),
        ],
        out_shape=[
            jax.ShapeDtypeStruct((8, HD), jnp.float32),
            jax.ShapeDtypeStruct((8, LD), jnp.float32),
        ],
    )(high_dim_features, lowT)

    s_hi, t_hi = _fold(bn_high_g, bn_high_b, sh[0], sh[1])
    s_lo, t_lo = _fold(bn_low_g, bn_low_b, sl[0], sl[1])
    Wh = s_hi[:, None] * W_high
    bh = (t_hi @ W_high + b_high)[None, :]
    Wl = s_lo[:, None] * W_low
    bl = (t_lo @ W_low + b_low)[None, :]

    y, sy = pl.pallas_call(
        _embed_body,
        grid=(NBLK,),
        in_specs=[
            pl.BlockSpec((BN_ROWS, HD), lambda i: (i, 0)),
            pl.BlockSpec((LD, 1, 1, BN_ROWS), lambda i: (0, i, 0, 0)),
            pl.BlockSpec((HD, EMB), lambda i: (0, 0)),
            pl.BlockSpec((1, EMB), lambda i: (0, 0)),
            pl.BlockSpec((LD, EMB), lambda i: (0, 0)),
            pl.BlockSpec((1, EMB), lambda i: (0, 0)),
        ],
        out_specs=[
            pl.BlockSpec((BN_ROWS, HID), lambda i: (i, 0)),
            pl.BlockSpec((8, HID), lambda i: (0, 0)),
        ],
        out_shape=[
            jax.ShapeDtypeStruct((N, HID), jnp.float32),
            jax.ShapeDtypeStruct((8, HID), jnp.float32),
        ],
    )(high_dim_features, lowT, Wh, bh, Wl, bl)

    gy = jnp.concatenate([mlp_high_g, mlp_low_g])
    by = jnp.concatenate([mlp_high_b, mlp_low_b])
    s_y, t_y = _fold(gy, by, sy[0], sy[1])

    g128 = pl.pallas_call(
        _project_body,
        grid=(NBLK,),
        in_specs=[
            pl.BlockSpec((BN_ROWS, HID), lambda i: (i, 0)),
            pl.BlockSpec((1, HID), lambda i: (0, 0)),
            pl.BlockSpec((1, HID), lambda i: (0, 0)),
            pl.BlockSpec((1, 1, BN_ROWS), lambda i: (i, 0, 0)),
        ],
        out_specs=pl.BlockSpec((BN_ROWS, 2 * HID), lambda i: (i, 0)),
        out_shape=jax.ShapeDtypeStruct((N, 2 * HID), jnp.float32),
    )(y, s_y[None, :], t_y[None, :], deg3)

    acc128 = _message_sc(g128, ei_flat)

    out = pl.pallas_call(
        _final_body,
        grid=(NBLK,),
        in_specs=[
            pl.BlockSpec((BN_ROWS, 4 * EMB), lambda i: (i, 0)),
            pl.BlockSpec((BN_ROWS, 2 * HID), lambda i: (i, 0)),
            pl.BlockSpec((1, 1, BN_ROWS), lambda i: (i, 0, 0)),
            pl.BlockSpec((HID, HID), lambda i: (0, 0)),
            pl.BlockSpec((1, HID), lambda i: (0, 0)),
            pl.BlockSpec((HID, OUT), lambda i: (0, 0)),
            pl.BlockSpec((1, OUT), lambda i: (0, 0)),
        ],
        out_specs=pl.BlockSpec((BN_ROWS, OUT), lambda i: (i, 0)),
        out_shape=jax.ShapeDtypeStruct((N, OUT), jnp.float32),
    )(acc128, g128, deg3, W_gcn, b_gcn[None, :], W_cls, b_cls[None, :])

    return out

# --- scband reference (transcript-rebuilt; emitter-appended) ---
"""Pipeline reference for scband-baseline-gcn-85856396247987 (READ-ONLY COPY).

The authoritative reference and input builder live on the scoring server;
editing this copy changes nothing except your own understanding.
"""

import jax, jax.numpy as jnp
import numpy as np

N = 50000
E = 800000
HD = 512
LD = 16
EMB = 32
HID = 64
OUT = 40
EPS = 1e-5


def setup_inputs(seed: int = 0) -> dict:
    key = jax.random.key(seed)
    ks = jax.random.split(key, 20)
    s = 0.05
    inp = {}
    inp['high_dim_features'] = jax.random.normal(ks[0], (N, HD), dtype=jnp.float32)
    inp['low_dim_features'] = jax.random.normal(ks[1], (N, LD), dtype=jnp.float32)
    inp['edge_index'] = jax.random.randint(ks[2], (2, E), 0, N, dtype=jnp.int32)
    # BatchNorm affine params (gamma, beta)
    inp['bn_low_g'] = jnp.ones((LD,), jnp.float32)
    inp['bn_low_b'] = jnp.zeros((LD,), jnp.float32)
    inp['bn_high_g'] = jnp.ones((HD,), jnp.float32)
    inp['bn_high_b'] = jnp.zeros((HD,), jnp.float32)
    # MLP low: Linear(LD->EMB) + BN(EMB)
    inp['W_low'] = jax.random.normal(ks[3], (LD, EMB), jnp.float32) * s
    inp['b_low'] = jnp.zeros((EMB,), jnp.float32)
    inp['mlp_low_g'] = jnp.ones((EMB,), jnp.float32)
    inp['mlp_low_b'] = jnp.zeros((EMB,), jnp.float32)
    # MLP high: Linear(HD->EMB) + BN(EMB)
    inp['W_high'] = jax.random.normal(ks[4], (HD, EMB), jnp.float32) * s
    inp['b_high'] = jnp.zeros((EMB,), jnp.float32)
    inp['mlp_high_g'] = jnp.ones((EMB,), jnp.float32)
    inp['mlp_high_b'] = jnp.zeros((EMB,), jnp.float32)
    # GCNConv(2*EMB -> HID)
    inp['W_gcn'] = jax.random.normal(ks[5], (2 * EMB, HID), jnp.float32) * s
    inp['b_gcn'] = jnp.zeros((HID,), jnp.float32)
    # classifier Linear(HID -> OUT)
    inp['W_cls'] = jax.random.normal(ks[6], (HID, OUT), jnp.float32) * s
    inp['b_cls'] = jnp.zeros((OUT,), jnp.float32)
    return inp


def _bn(x, g, b):
    # BatchNorm1d in training mode: batch statistics (biased variance)
    m = jnp.mean(x, axis=0)
    v = jnp.mean((x - m) ** 2, axis=0)
    return (x - m) / jnp.sqrt(v + EPS) * g + b


def _gcn_conv(x, edge_index, W, b):
    # PyG GCNConv: add self-loops, symmetric normalization, then aggregate
    h = x @ W
    loop = jnp.arange(N, dtype=edge_index.dtype)
    row = jnp.concatenate([edge_index[0], loop])
    col = jnp.concatenate([edge_index[1], loop])
    deg = jnp.zeros((N,), jnp.float32).at[col].add(1.0)
    dinv = jnp.where(deg > 0, jax.lax.rsqrt(deg), 0.0)
    norm = dinv[row] * dinv[col]
    msg = h[row] * norm[:, None]
    out = jnp.zeros((N, h.shape[1]), jnp.float32).at[col].add(msg)
    return out + b


def reference(high_dim_features, low_dim_features, edge_index,
              bn_low_g, bn_low_b, bn_high_g, bn_high_b,
              W_low, b_low, mlp_low_g, mlp_low_b,
              W_high, b_high, mlp_high_g, mlp_high_b,
              W_gcn, b_gcn, W_cls, b_cls):
    low = _bn(low_dim_features, bn_low_g, bn_low_b)
    low_e = _bn(jax.nn.relu(low @ W_low + b_low), mlp_low_g, mlp_low_b)
    high = _bn(high_dim_features, bn_high_g, bn_high_b)
    high_e = _bn(jax.nn.relu(high @ W_high + b_high), mlp_high_g, mlp_high_b)
    combined = jnp.concatenate([high_e, low_e], axis=-1)
    x = _gcn_conv(combined, edge_index, W_gcn, b_gcn)
    x = jnp.tanh(x)
    # dropout p=0.4 treated as identity (eval semantics) for determinism
    x = x @ W_cls + b_cls
    return jax.nn.log_softmax(x, axis=1)

if __name__ == "__main__":
    import jax
    _d = setup_inputs()
    print(jax.jit(kernel)(*tuple(_d.values())))

</pallas_src>

<mosaic_0001>
#map = affine_map<(d0, d1) -> (0, 0)>
#map1 = affine_map<(d0, d1) -> (0)>
module attributes {stable_mosaic.version = 14 : i64} {
  func.func @msg_kernel(%arg0: i32, %arg1: i32, %arg2: memref<200000x32xf32, #tpu.memory_space<hbm>>, %arg3: memref<1600000xi32, #tpu.memory_space<hbm>>, %arg4: memref<50000x128xf32, #tpu.memory_space<hbm>>, %arg5: memref<50000x32xf32, #tpu.memory_space<vmem_shared>>, %arg6: memref<2x400xi32, #tpu.memory_space<vmem>>, %arg7: memref<2x400xi32, #tpu.memory_space<vmem>>, %arg8: memref<400x32xf32, #tpu.memory_space<vmem>>, %arg9: memref<400x32xf32, #tpu.memory_space<vmem>>, %arg10: memref<!tpu.dma_semaphore, #tpu.memory_space<semaphore_mem>>, %arg11: memref<!tpu.dma_semaphore, #tpu.memory_space<semaphore_mem>>, %arg12: memref<!tpu.dma_semaphore, #tpu.memory_space<semaphore_mem>>, %arg13: memref<!tpu.dma_semaphore, #tpu.memory_space<semaphore_mem>>) attributes {dimension_semantics = [#tpu.dimension_semantics<core_parallel>, #tpu.dimension_semantics<subcore_parallel>], iteration_bounds = array<i64: 2, 16>, scalar_prefetch = 0 : i64, scratch_operands = 9 : i64, tpu.core_type = #tpu.core_type<sc_vector_subcore>, window_params = [{transform_indices = #map}, {transform_indices = #map1}, {transform_indices = #map}]} {
    %scan3A = arith.constant 0 : i32
    %scan3A_0 = arith.constant 125 : i32
    %scan3A_1 = arith.addi %scan3A, %scan3A_0 : i32
    %scan3A_2 = arith.constant 1 : i32
    scf.for %scan3A_104 = %scan3A to %scan3A_1 step %scan3A_2  : i32 {
      %mul3A_105 = arith.constant 1 : i32
      %mul3A_106 = arith.muli %scan3A_104, %mul3A_105 : i32
      %add3A_107 = arith.constant 0 : i32
      %add3A_108 = arith.addi %add3A_107, %mul3A_106 : i32
      %broadcast_in_dim3A = arith.constant 0.000000e+00 : f32
      %broadcast_in_dim3A_109 = vector.broadcast %broadcast_in_dim3A : f32 to vector<16xf32>
      %swap3A = arith.index_cast %add3A_108 : i32 to index
      %swap3A_110 = arith.constant 0 : index
      %swap3A_111 = tpu.vector_load %arg8[%swap3A, %swap3A_110] {strides = array<i32>} : memref<400x32xf32, #tpu.memory_space<vmem>>, vector<16xf32>,
      tpu.vector_store %arg8[%swap3A, %swap3A_110], %broadcast_in_dim3A_109 {strides = array<i32>} : memref<400x32xf32, #tpu.memory_space<vmem>>, vector<16xf32>,
      %broadcast_in_dim3A_112 = arith.constant 0.000000e+00 : f32
      %broadcast_in_dim3A_113 = vector.broadcast %broadcast_in_dim3A_112 : f32 to vector<16xf32>
      %swap3A_114 = arith.index_cast %add3A_108 : i32 to index
      %swap3A_115 = arith.constant 16 : index
      %swap3A_116 = tpu.vector_load %arg8[%swap3A_114, %swap3A_115] {strides = array<i32>} : memref<400x32xf32, #tpu.memory_space<vmem>>, vector<16xf32>,
      tpu.vector_store %arg8[%swap3A_114, %swap3A_115], %broadcast_in_dim3A_113 {strides = array<i32>} : memref<400x32xf32, #tpu.memory_space<vmem>>, vector<16xf32>,
    }
    %scan3A_3 = arith.constant 125 : i32
    %scan3A_4 = arith.constant 0 : i32
    %scan3A_5 = arith.constant 25 : i32
    %scan3A_6 = arith.addi %scan3A_4, %scan3A_5 : i32
    %scan3A_7 = arith.constant 1 : i32
    scf.for %scan3A_104 = %scan3A_4 to %scan3A_6 step %scan3A_7  : i32 {
      %mul3A_105 = arith.constant 1 : i32
      %mul3A_106 = arith.muli %scan3A_104, %mul3A_105 : i32
      %add3A_107 = arith.constant 0 : i32
      %add3A_108 = arith.addi %add3A_107, %mul3A_106 : i32
      %mul3A_109 = arith.constant 3125 : i32
      %mul3A_110 = arith.muli %arg1, %mul3A_109 : i32
      %mul3A_111 = arith.constant 125 : i32
      %mul3A_112 = arith.muli %add3A_108, %mul3A_111 : i32
      %add3A_113 = arith.addi %mul3A_110, %mul3A_112 : i32
      "tpu.region"() ({
        %run_scoped3A_114 = tpu.sem_alloc : memref<!tpu.dma_semaphore, #tpu.memory_space<semaphore_mem>>
        %dma_start3A_115 = arith.constant 0 : i32
        %dma_start3A_116 = arith.constant 0 : i32
        %dma_start3A_117 = tpu.memref_slice %arg8[%dma_start3A_115, %dma_start3A_116] : memref<400x32xf32, #tpu.memory_space<vmem>> -> memref<125x32xf32, #tpu.memory_space<vmem>>
        %dma_start3A_118 = arith.constant 0 : i32
        %dma_start3A_119 = tpu.memref_slice %arg5[%add3A_113, %dma_start3A_118] : memref<50000x32xf32, #tpu.memory_space<vmem_shared>> -> memref<125x32xf32, #tpu.memory_space<vmem_shared>>
        %dma_start3A_120 = arith.constant 0 : i32
        %dma_start3A_121 = tpu.memref_slice %arg5[%add3A_113, %dma_start3A_120] : memref<50000x32xf32, #tpu.memory_space<vmem_shared>> -> memref<125x32xf32, #tpu.memory_space<vmem_shared>>
        %dma_start3A_122 = arith.constant 0 : i32
        %dma_start3A_123 = arith.constant 0 : i32
        %dma_start3A_124 = tpu.memref_slice %arg8[%dma_start3A_122, %dma_start3A_123] : memref<400x32xf32, #tpu.memory_space<vmem>> -> memref<125x32xf32, #tpu.memory_space<vmem>>
        tpu.enqueue_dma source(%dma_start3A_124 : memref<125x32xf32, #tpu.memory_space<vmem>>) target(%dma_start3A_121 : memref<125x32xf32, #tpu.memory_space<vmem_shared>>) target_semaphore(%run_scoped3A_114 : memref<!tpu.dma_semaphore, #tpu.memory_space<semaphore_mem>>)
        %dma_wait3A_125 = arith.constant 0 : i32
        %dma_wait3A_126 = arith.constant 0 : i32
        %dma_wait3A_127 = tpu.memref_slice %arg8[%dma_wait3A_125, %dma_wait3A_126] : memref<400x32xf32, #tpu.memory_space<vmem>> -> memref<125x32xf32, #tpu.memory_space<vmem>>
        %dma_wait3A_128 = arith.constant 0 : i32
        %dma_wait3A_129 = tpu.memref_slice %arg5[%add3A_113, %dma_wait3A_128] : memref<50000x32xf32, #tpu.memory_space<vmem_shared>> -> memref<125x32xf32, #tpu.memory_space<vmem_shared>>
        %dma_wait3A_130 = arith.constant 0 : i32
        %dma_wait3A_131 = tpu.memref_slice %arg5[%add3A_113, %dma_wait3A_130] : memref<50000x32xf32, #tpu.memory_space<vmem_shared>> -> memref<125x32xf32, #tpu.memory_space<vmem_shared>>
        %dma_wait3A_132 = arith.constant 0 : i32
        %dma_wait3A_133 = arith.constant 0 : i32
        %dma_wait3A_134 = tpu.memref_slice %arg8[%dma_wait3A_132, %dma_wait3A_133] : memref<400x32xf32, #tpu.memory_space<vmem>> -> memref<125x32xf32, #tpu.memory_space<vmem>>
        tpu.wait_dma2 semaphore(%run_scoped3A_114 : memref<!tpu.dma_semaphore, #tpu.memory_space<semaphore_mem>>) src(%dma_wait3A_134 : memref<125x32xf32, #tpu.memory_space<vmem>>) dst(%dma_wait3A_131 : memref<125x32xf32, #tpu.memory_space<vmem_shared>>)
        tpu.yield
      }) : () -> ()
    }
    %scan3A_8 = arith.constant 25 : i32
    %barrier3A = arith.constant 0 : index
    tpu.barrier barrier_id(%barrier3A)
    %mul3A = arith.constant 125 : i32
    %mul3A_9 = arith.muli %arg1, %mul3A : i32
    %mul3A_10 = arith.constant 400 : i32
    %mul3A_11 = arith.muli %mul3A_9, %mul3A_10 : i32
    %add3A = arith.constant 0 : i32
    %add3A_12 = arith.addi %mul3A_11, %add3A : i32
    %add3A_13 = arith.constant 800000 : i32
    %add3A_14 = arith.addi %add3A_13, %add3A_12 : i32
    %dma_start3A = arith.constant 0 : i32
    %dma_start3A_15 = arith.constant 0 : i32
    %dma_start3A_16 = tpu.memref_slice %arg6[%dma_start3A, %dma_start3A_15] : memref<2x400xi32, #tpu.memory_space<vmem>> -> memref<1x400xi32, #tpu.memory_space<vmem>>
    %dma_start3A_17 = tpu.memref_squeeze %dma_start3A_16 : memref<1x400xi32, #tpu.memory_space<vmem>> -> memref<400xi32, #tpu.memory_space<vmem>>
    %dma_start3A_18 = tpu.memref_slice %arg3[%add3A_12] : memref<1600000xi32, #tpu.memory_space<hbm>> -> memref<400xi32, #tpu.memory_space<hbm>>
    %dma_start3A_19 = arith.constant 0 : i32
    %dma_start3A_20 = tpu.memref_slice %arg6[%dma_start3A, %dma_start3A_19] : memref<2x400xi32, #tpu.memory_space<vmem>> -> memref<1x400xi32, #tpu.memory_space<vmem>>
    %dma_start3A_21 = tpu.memref_squeeze %dma_start3A_20 : memref<1x400xi32, #tpu.memory_space<vmem>> -> memref<400xi32, #tpu.memory_space<vmem>>
    %dma_start3A_22 = tpu.memref_slice %arg3[%add3A_12] : memref<1600000xi32, #tpu.memory_space<hbm>> -> memref<400xi32, #tpu.memory_space<hbm>>
    tpu.enqueue_dma source(%dma_start3A_22 : memref<400xi32, #tpu.memory_space<hbm>>) target(%dma_start3A_21 : memref<400xi32, #tpu.memory_space<vmem>>) target_semaphore(%arg10 : memref<!tpu.dma_semaphore, #tpu.memory_space<semaphore_mem>>)
    %dma_start3A_23 = arith.constant 1 : i32
    %dma_start3A_24 = arith.constant 0 : i32
    %dma_start3A_25 = tpu.memref_slice %arg6[%dma_start3A_23, %dma_start3A_24] : memref<2x400xi32, #tpu.memory_space<vmem>> -> memref<1x400xi32, #tpu.memory_space<vmem>>
    %dma_start3A_26 = tpu.memref_squeeze %dma_start3A_25 : memref<1x400xi32, #tpu.memory_space<vmem>> -> memref<400xi32, #tpu.memory_space<vmem>>
    %dma_start3A_27 = tpu.memref_slice %arg3[%add3A_14] : memref<1600000xi32, #tpu.memory_space<hbm>> -> memref<400xi32, #tpu.memory_space<hbm>>
    %dma_start3A_28 = arith.constant 0 : i32
    %dma_start3A_29 = tpu.memref_slice %arg6[%dma_start3A_23, %dma_start3A_28] : memref<2x400xi32, #tpu.memory_space<vmem>> -> memref<1x400xi32, #tpu.memory_space<vmem>>
    %dma_start3A_30 = tpu.memref_squeeze %dma_start3A_29 : memref<1x400xi32, #tpu.memory_space<vmem>> -> memref<400xi32, #tpu.memory_space<vmem>>
    %dma_start3A_31 = tpu.memref_slice %arg3[%add3A_14] : memref<1600000xi32, #tpu.memory_space<hbm>> -> memref<400xi32, #tpu.memory_space<hbm>>
    tpu.enqueue_dma source(%dma_start3A_31 : memref<400xi32, #tpu.memory_space<hbm>>) target(%dma_start3A_30 : memref<400xi32, #tpu.memory_space<vmem>>) target_semaphore(%arg10 : memref<!tpu.dma_semaphore, #tpu.memory_space<semaphore_mem>>)
    %add3A_32 = arith.constant 400 : i32
    %add3A_33 = arith.addi %mul3A_11, %add3A_32 : i32
    %add3A_34 = arith.constant 800000 : i32
    %add3A_35 = arith.addi %add3A_34, %add3A_33 : i32
    %dma_start3A_36 = arith.constant 0 : i32
    %dma_start3A_37 = arith.constant 0 : i32
    %dma_start3A_38 = tpu.memref_slice %arg7[%dma_start3A_36, %dma_start3A_37] : memref<2x400xi32, #tpu.memory_space<vmem>> -> memref<1x400xi32, #tpu.memory_space<vmem>>
    %dma_start3A_39 = tpu.memref_squeeze %dma_start3A_38 : memref<1x400xi32, #tpu.memory_space<vmem>> -> memref<400xi32, #tpu.memory_space<vmem>>
    %dma_start3A_40 = tpu.memref_slice %arg3[%add3A_33] : memref<1600000xi32, #tpu.memory_space<hbm>> -> memref<400xi32, #tpu.memory_space<hbm>>
    %dma_start3A_41 = arith.constant 0 : i32
    %dma_start3A_42 = tpu.memref_slice %arg7[%dma_start3A_36, %dma_start3A_41] : memref<2x400xi32, #tpu.memory_space<vmem>> -> memref<1x400xi32, #tpu.memory_space<vmem>>
    %dma_start3A_43 = tpu.memref_squeeze %dma_start3A_42 : memref<1x400xi32, #tpu.memory_space<vmem>> -> memref<400xi32, #tpu.memory_space<vmem>>
    %dma_start3A_44 = tpu.memref_slice %arg3[%add3A_33] : memref<1600000xi32, #tpu.memory_space<hbm>> -> memref<400xi32, #tpu.memory_space<hbm>>
    tpu.enqueue_dma source(%dma_start3A_44 : memref<400xi32, #tpu.memory_space<hbm>>) target(%dma_start3A_43 : memref<400xi32, #tpu.memory_space<vmem>>) target_semaphore(%arg11 : memref<!tpu.dma_semaphore, #tpu.memory_space<semaphore_mem>>)
    %dma_start3A_45 = arith.constant 1 : i32
    %dma_start3A_46 = arith.constant 0 : i32
    %dma_start3A_47 = tpu.memref_slice %arg7[%dma_start3A_45, %dma_start3A_46] : memref<2x400xi32, #tpu.memory_space<vmem>> -> memref<1x400xi32, #tpu.memory_space<vmem>>
    %dma_start3A_48 = tpu.memref_squeeze %dma_start3A_47 : memref<1x400xi32, #tpu.memory_space<vmem>> -> memref<400xi32, #tpu.memory_space<vmem>>
    %dma_start3A_49 = tpu.memref_slice %arg3[%add3A_35] : memref<1600000xi32, #tpu.memory_space<hbm>> -> memref<400xi32, #tpu.memory_space<hbm>>
    %dma_start3A_50 = arith.constant 0 : i32
    %dma_start3A_51 = tpu.memref_slice %arg7[%dma_start3A_45, %dma_start3A_50] : memref<2x400xi32, #tpu.memory_space<vmem>> -> memref<1x400xi32, #tpu.memory_space<vmem>>
    %dma_start3A_52 = tpu.memref_squeeze %dma_start3A_51 : memref<1x400xi32, #tpu.memory_space<vmem>> -> memref<400xi32, #tpu.memory_space<vmem>>
    %dma_start3A_53 = tpu.memref_slice %arg3[%add3A_35] : memref<1600000xi32, #tpu.memory_space<hbm>> -> memref<400xi32, #tpu.memory_space<hbm>>
    tpu.enqueue_dma source(%dma_start3A_53 : memref<400xi32, #tpu.memory_space<hbm>>) target(%dma_start3A_52 : memref<400xi32, #tpu.memory_space<vmem>>) target_semaphore(%arg11 : memref<!tpu.dma_semaphore, #tpu.memory_space<semaphore_mem>>)
    %scan3A_54 = arith.constant 0 : i32
    %scan3A_55 = arith.constant 62 : i32
    %scan3A_56 = arith.addi %scan3A_54, %scan3A_55 : i32
    %scan3A_57 = arith.constant 1 : i32
    scf.for %scan3A_104 = %scan3A_54 to %scan3A_56 step %scan3A_57  : i32 {
      %mul3A_105 = arith.constant 1 : i32
      %mul3A_106 = arith.muli %scan3A_104, %mul3A_105 : i32
      %add3A_107 = arith.constant 0 : i32
      %add3A_108 = arith.addi %add3A_107, %mul3A_106 : i32
      %mul3A_109 = arith.constant 2 : i32
      %mul3A_110 = arith.muli %mul3A_109, %add3A_108 : i32
      %mul3A_111 = arith.constant 400 : i32
      %mul3A_112 = arith.muli %mul3A_110, %mul3A_111 : i32
      %add3A_113 = arith.addi %mul3A_11, %mul3A_112 : i32
      %add3A_114 = arith.constant 800000 : i32
      %add3A_115 = arith.addi %add3A_114, %add3A_113 : i32
      %dma_wait3A_116 = arith.constant 0 : i32
      %dma_wait3A_117 = arith.constant 0 : i32
      %dma_wait3A_118 = tpu.memref_slice %arg6[%dma_wait3A_116, %dma_wait3A_117] : memref<2x400xi32, #tpu.memory_space<vmem>> -> memref<1x400xi32, #tpu.memory_space<vmem>>
      %dma_wait3A_119 = tpu.memref_squeeze %dma_wait3A_118 : memref<1x400xi32, #tpu.memory_space<vmem>> -> memref<400xi32, #tpu.memory_space<vmem>>
      %dma_wait3A_120 = tpu.memref_slice %arg3[%add3A_113] : memref<1600000xi32, #tpu.memory_space<hbm>> -> memref<400xi32, #tpu.memory_space<hbm>>
      %dma_wait3A_121 = arith.constant 0 : i32
      %dma_wait3A_122 = tpu.memref_slice %arg6[%dma_wait3A_116, %dma_wait3A_121] : memref<2x400xi32, #tpu.memory_space<vmem>> -> memref<1x400xi32, #tpu.memory_space<vmem>>
      %dma_wait3A_123 = tpu.memref_squeeze %dma_wait3A_122 : memref<1x400xi32, #tpu.memory_space<vmem>> -> memref<400xi32, #tpu.memory_space<vmem>>
      %dma_wait3A_124 = tpu.memref_slice %arg3[%add3A_113] : memref<1600000xi32, #tpu.memory_space<hbm>> -> memref<400xi32, #tpu.memory_space<hbm>>
      tpu.wait_dma2 semaphore(%arg10 : memref<!tpu.dma_semaphore, #tpu.memory_space<semaphore_mem>>) src(%dma_wait3A_124 : memref<400xi32, #tpu.memory_space<hbm>>) dst(%dma_wait3A_123 : memref<400xi32, #tpu.memory_space<vmem>>)
      %dma_wait3A_125 = arith.constant 1 : i32
      %dma_wait3A_126 = arith.constant 0 : i32
      %dma_wait3A_127 = tpu.memref_slice %arg6[%dma_wait3A_125, %dma_wait3A_126] : memref<2x400xi32, #tpu.memory_space<vmem>> -> memref<1x400xi32, #tpu.memory_space<vmem>>
      %dma_wait3A_128 = tpu.memref_squeeze %dma_wait3A_127 : memref<1x400xi32, #tpu.memory_space<vmem>> -> memref<400xi32, #tpu.memory_space<vmem>>
      %dma_wait3A_129 = tpu.memref_slice %arg3[%add3A_115] : memref<1600000xi32, #tpu.memory_space<hbm>> -> memref<400xi32, #tpu.memory_space<hbm>>
      %dma_wait3A_130 = arith.constant 0 : i32
      %dma_wait3A_131 = tpu.memref_slice %arg6[%dma_wait3A_125, %dma_wait3A_130] : memref<2x400xi32, #tpu.memory_space<vmem>> -> memref<1x400xi32, #tpu.memory_space<vmem>>
      %dma_wait3A_132 = tpu.memref_squeeze %dma_wait3A_131 : memref<1x400xi32, #tpu.memory_space<vmem>> -> memref<400xi32, #tpu.memory_space<vmem>>
      %dma_wait3A_133 = tpu.memref_slice %arg3[%add3A_115] : memref<1600000xi32, #tpu.memory_space<hbm>> -> memref<400xi32, #tpu.memory_space<hbm>>
      tpu.wait_dma2 semaphore(%arg10 : memref<!tpu.dma_semaphore, #tpu.memory_space<semaphore_mem>>) src(%dma_wait3A_133 : memref<400xi32, #tpu.memory_space<hbm>>) dst(%dma_wait3A_132 : memref<400xi32, #tpu.memory_space<vmem>>)
      %scan3A_134 = arith.constant 0 : i32
      %scan3A_135 = arith.constant 25 : i32
      %scan3A_136 = arith.addi %scan3A_134, %scan3A_135 : i32
      %scan3A_137 = arith.constant 1 : i32
      scf.for %scan3A_234 = %scan3A_134 to %scan3A_136 step %scan3A_137  : i32 {
        %mul3A_235 = arith.constant 16 : i32
        %mul3A_236 = arith.muli %scan3A_234, %mul3A_235 : i32
        %add3A_237 = arith.constant 0 : i32
        %add3A_238 = arith.addi %add3A_237, %mul3A_236 : i32
        %get3A = arith.constant 0 : i32
        %get3A_239 = arith.index_cast %get3A : i32 to index
        %get3A_240 = arith.index_cast %add3A_238 : i32 to index
        %get3A_241 = tpu.vector_load %arg6[%get3A_239, %get3A_240] {strides = array<i32>} : memref<2x400xi32, #tpu.memory_space<vmem>>, vector<16xi32>,
        %mul3A_242 = arith.constant 4 : i32
        %mul3A_243 = vector.broadcast %mul3A_242 : i32 to vector<16xi32>
        %mul3A_244 = arith.muli %get3A_241, %mul3A_243 : vector<16xi32>
        %add3A_245 = vector.broadcast %arg0 : i32 to vector<16xi32>
        %add3A_246 = arith.addi %mul3A_244, %add3A_245 : vector<16xi32>
        %swap3A = arith.constant 0 : i32
        %swap3A_247 = arith.index_cast %swap3A : i32 to index
        %swap3A_248 = arith.index_cast %add3A_238 : i32 to index
        %swap3A_249 = tpu.vector_load %arg6[%swap3A_247, %swap3A_248] {strides = array<i32>} : memref<2x400xi32, #tpu.memory_space<vmem>>, vector<16xi32>,
        tpu.vector_store %arg6[%swap3A_247, %swap3A_248], %add3A_246 {strides = array<i32>} : memref<2x400xi32, #tpu.memory_space<vmem>>, vector<16xi32>,
      }
      %scan3A_138 = arith.constant 25 : i32
      %dma_start3A_139 = arith.constant 0 : i32
      %dma_start3A_140 = arith.constant 0 : i32
      %dma_start3A_141 = tpu.memref_slice %arg6[%dma_start3A_139, %dma_start3A_140] : memref<2x400xi32, #tpu.memory_space<vmem>> -> memref<1x400xi32, #tpu.memory_space<vmem>>
      %dma_start3A_142 = tpu.memref_squeeze %dma_start3A_141 : memref<1x400xi32, #tpu.memory_space<vmem>> -> memref<400xi32, #tpu.memory_space<vmem>>
      %dma_start3A_143 = arith.constant 0 : i32
      %dma_start3A_144 = arith.constant 0 : i32
      %dma_start3A_145 = tpu.memref_slice %arg2[%dma_start3A_143, %dma_start3A_144] : memref<200000x32xf32, #tpu.memory_space<hbm>> -> memref<200000x32xf32, #tpu.memory_space<hbm>>
      tpu.enqueue_indirect_dma source(%dma_start3A_145 : memref<200000x32xf32, #tpu.memory_space<hbm>>) target(%arg8 : memref<400x32xf32, #tpu.memory_space<vmem>>) offsets(%dma_start3A_142 : memref<400xi32, #tpu.memory_space<vmem>>) semaphore(%arg12 : memref<!tpu.dma_semaphore, #tpu.memory_space<semaphore_mem>>)
      %mul3A_146 = arith.constant 2 : i32
      %mul3A_147 = arith.muli %mul3A_146, %add3A_108 : i32
      %add3A_148 = arith.constant 1 : i32
      %add3A_149 = arith.addi %mul3A_147, %add3A_148 : i32
      %mul3A_150 = arith.constant 400 : i32
      %mul3A_151 = arith.muli %add3A_149, %mul3A_150 : i32
      %add3A_152 = arith.addi %mul3A_11, %mul3A_151 : i32
      %add3A_153 = arith.constant 800000 : i32
      %add3A_154 = arith.addi %add3A_153, %add3A_152 : i32
      %dma_wait3A_155 = arith.constant 0 : i32
      %dma_wait3A_156 = arith.constant 0 : i32
      %dma_wait3A_157 = tpu.memref_slice %arg7[%dma_wait3A_155, %dma_wait3A_156] : memref<2x400xi32, #tpu.memory_space<vmem>> -> memref<1x400xi32, #tpu.memory_space<vmem>>
      %dma_wait3A_158 = tpu.memref_squeeze %dma_wait3A_157 : memref<1x400xi32, #tpu.memory_space<vmem>> -> memref<400xi32, #tpu.memory_space<vmem>>
      %dma_wait3A_159 = tpu.memref_slice %arg3[%add3A_152] : memref<1600000xi32, #tpu.memory_space<hbm>> -> memref<400xi32, #tpu.memory_space<hbm>>
      %dma_wait3A_160 = arith.constant 0 : i32
      %dma_wait3A_161 = tpu.memref_slice %arg7[%dma_wait3A_155, %dma_wait3A_160] : memref<2x400xi32, #tpu.memory_space<vmem>> -> memref<1x400xi32, #tpu.memory_space<vmem>>
      %dma_wait3A_162 = tpu.memref_squeeze %dma_wait3A_161 : memref<1x400xi32, #tpu.memory_space<vmem>> -> memref<400xi32, #tpu.memory_space<vmem>>
      %dma_wait3A_163 = tpu.memref_slice %arg3[%add3A_152] : memref<1600000xi32, #tpu.memory_space<hbm>> -> memref<400xi32, #tpu.memory_space<hbm>>
      tpu.wait_dma2 semaphore(%arg11 : memref<!tpu.dma_semaphore, #tpu.memory_space<semaphore_mem>>) src(%dma_wait3A_163 : memref<400xi32, #tpu.memory_space<hbm>>) dst(%dma_wait3A_162 : memref<400xi32, #tpu.memory_space<vmem>>)
      %dma_wait3A_164 = arith.constant 1 : i32
      %dma_wait3A_165 = arith.constant 0 : i32
      %dma_wait3A_166 = tpu.memref_slice %arg7[%dma_wait3A_164, %dma_wait3A_165] : memref<2x400xi32, #tpu.memory_space<vmem>> -> memref<1x400xi32, #tpu.memory_space<vmem>>
      %dma_wait3A_167 = tpu.memref_squeeze %dma_wait3A_166 : memref<1x400xi32, #tpu.memory_space<vmem>> -> memref<400xi32, #tpu.memory_space<vmem>>
      %dma_wait3A_168 = tpu.memref_slice %arg3[%add3A_154] : memref<1600000xi32, #tpu.memory_space<hbm>> -> memref<400xi32, #tpu.memory_space<hbm>>
      %dma_wait3A_169 = arith.constant 0 : i32
      %dma_wait3A_170 = tpu.memref_slice %arg7[%dma_wait3A_164, %dma_wait3A_169] : memref<2x400xi32, #tpu.memory_space<vmem>> -> memref<1x400xi32, #tpu.memory_space<vmem>>
      %dma_wait3A_171 = tpu.memref_squeeze %dma_wait3A_170 : memref<1x400xi32, #tpu.memory_space<vmem>> -> memref<400xi32, #tpu.memory_space<vmem>>
      %dma_wait3A_172 = tpu.memref_slice %arg3[%add3A_154] : memref<1600000xi32, #tpu.memory_space<hbm>> -> memref<400xi32, #tpu.memory_space<hbm>>
      tpu.wait_dma2 semaphore(%arg11 : memref<!tpu.dma_semaphore, #tpu.memory_space<semaphore_mem>>) src(%dma_wait3A_172 : memref<400xi32, #tpu.memory_space<hbm>>) dst(%dma_wait3A_171 : memref<400xi32, #tpu.memory_space<vmem>>)
      %scan3A_173 = arith.constant 0 : i32
      %scan3A_174 = arith.constant 25 : i32
      %scan3A_175 = arith.addi %scan3A_173, %scan3A_174 : i32
      %scan3A_176 = arith.constant 1 : i32
      scf.for %scan3A_234 = %scan3A_173 to %scan3A_175 step %scan3A_176  : i32 {
        %mul3A_235 = arith.constant 16 : i32
        %mul3A_236 = arith.muli %scan3A_234, %mul3A_235 : i32
        %add3A_237 = arith.constant 0 : i32
        %add3A_238 = arith.addi %add3A_237, %mul3A_236 : i32
        %get3A = arith.constant 0 : i32
        %get3A_239 = arith.index_cast %get3A : i32 to index
        %get3A_240 = arith.index_cast %add3A_238 : i32 to index
        %get3A_241 = tpu.vector_load %arg7[%get3A_239, %get3A_240] {strides = array<i32>} : memref<2x400xi32, #tpu.memory_space<vmem>>, vector<16xi32>,
        %mul3A_242 = arith.constant 4 : i32
        %mul3A_243 = vector.broadcast %mul3A_242 : i32 to vector<16xi32>
        %mul3A_244 = arith.muli %get3A_241, %mul3A_243 : vector<16xi32>
        %add3A_245 = vector.broadcast %arg0 : i32 to vector<16xi32>
        %add3A_246 = arith.addi %mul3A_244, %add3A_245 : vector<16xi32>
        %swap3A = arith.constant 0 : i32
        %swap3A_247 = arith.index_cast %swap3A : i32 to index
        %swap3A_248 = arith.index_cast %add3A_238 : i32 to index
        %swap3A_249 = tpu.vector_load %arg7[%swap3A_247, %swap3A_248] {strides = array<i32>} : memref<2x400xi32, #tpu.memory_space<vmem>>, vector<16xi32>,
        tpu.vector_store %arg7[%swap3A_247, %swap3A_248], %add3A_246 {strides = array<i32>} : memref<2x400xi32, #tpu.memory_space<vmem>>, vector<16xi32>,
      }
      %scan3A_177 = arith.constant 25 : i32
      %dma_start3A_178 = arith.constant 0 : i32
      %dma_start3A_179 = arith.constant 0 : i32
      %dma_start3A_180 = tpu.memref_slice %arg7[%dma_start3A_178, %dma_start3A_179] : memref<2x400xi32, #tpu.memory_space<vmem>> -> memref<1x400xi32, #tpu.memory_space<vmem>>
      %dma_start3A_181 = tpu.memref_squeeze %dma_start3A_180 : memref<1x400xi32, #tpu.memory_space<vmem>> -> memref<400xi32, #tpu.memory_space<vmem>>
      %dma_start3A_182 = arith.constant 0 : i32
      %dma_start3A_183 = arith.constant 0 : i32
      %dma_start3A_184 = tpu.memref_slice %arg2[%dma_start3A_182, %dma_start3A_183] : memref<200000x32xf32, #tpu.memory_space<hbm>> -> memref<200000x32xf32, #tpu.memory_space<hbm>>
      tpu.enqueue_indirect_dma source(%dma_start3A_184 : memref<200000x32xf32, #tpu.memory_space<hbm>>) target(%arg9 : memref<400x32xf32, #tpu.memory_space<vmem>>) offsets(%dma_start3A_181 : memref<400xi32, #tpu.memory_space<vmem>>) semaphore(%arg13 : memref<!tpu.dma_semaphore, #tpu.memory_space<semaphore_mem>>)
      %dma_wait3A_185 = arith.constant 0 : i32
      %dma_wait3A_186 = arith.constant 0 : i32
      %dma_wait3A_187 = tpu.memref_slice %arg6[%dma_wait3A_185, %dma_wait3A_186] : memref<2x400xi32, #tpu.memory_space<vmem>> -> memref<1x400xi32, #tpu.memory_space<vmem>>
      %dma_wait3A_188 = tpu.memref_squeeze %dma_wait3A_187 : memref<1x400xi32, #tpu.memory_space<vmem>> -> memref<400xi32, #tpu.memory_space<vmem>>
      %dma_wait3A_189 = arith.constant 0 : i32
      %dma_wait3A_190 = arith.constant 0 : i32
      %dma_wait3A_191 = tpu.memref_slice %arg2[%dma_wait3A_189, %dma_wait3A_190] : memref<200000x32xf32, #tpu.memory_space<hbm>> -> memref<200000x32xf32, #tpu.memory_space<hbm>>
      tpu.wait_indirect_dma semaphore(%arg12 : memref<!tpu.dma_semaphore, #tpu.memory_space<semaphore_mem>>) src(%dma_wait3A_191 : memref<200000x32xf32, #tpu.memory_space<hbm>>) dst(%arg8 : memref<400x32xf32, #tpu.memory_space<vmem>>)
      %run_scoped3A_192 = arith.constant 1 : i32
      "tpu.region"() ({
        %run_scoped3A_234 = tpu.sem_alloc : memref<!tpu.dma_semaphore, #tpu.memory_space<semaphore_mem>>
        %dma_start3A_235 = arith.constant 0 : i32
        %dma_start3A_236 = tpu.memref_slice %arg6[%run_scoped3A_192, %dma_start3A_235] : memref<2x400xi32, #tpu.memory_space<vmem>> -> memref<1x400xi32, #tpu.memory_space<vmem>>
        %dma_start3A_237 = tpu.memref_squeeze %dma_start3A_236 : memref<1x400xi32, #tpu.memory_space<vmem>> -> memref<400xi32, #tpu.memory_space<vmem>>
        %dma_start3A_238 = arith.constant 0 : i32
        %dma_start3A_239 = arith.constant 0 : i32
        %dma_start3A_240 = tpu.memref_slice %arg5[%dma_start3A_238, %dma_start3A_239] : memref<50000x32xf32, #tpu.memory_space<vmem_shared>> -> memref<50000x32xf32, #tpu.memory_space<vmem_shared>>
        tpu.enqueue_indirect_dma source(%arg8 : memref<400x32xf32, #tpu.memory_space<vmem>>) target(%dma_start3A_240 : memref<50000x32xf32, #tpu.memory_space<vmem_shared>>) offsets(%dma_start3A_237 : memref<400xi32, #tpu.memory_space<vmem>>) semaphore(%run_scoped3A_234 : memref<!tpu.dma_semaphore, #tpu.memory_space<semaphore_mem>>) {add = true}
        %dma_wait3A_241 = arith.constant 0 : i32
        %dma_wait3A_242 = tpu.memref_slice %arg6[%run_scoped3A_192, %dma_wait3A_241] : memref<2x400xi32, #tpu.memory_space<vmem>> -> memref<1x400xi32, #tpu.memory_space<vmem>>
        %dma_wait3A_243 = tpu.memref_squeeze %dma_wait3A_242 : memref<1x400xi32, #tpu.memory_space<vmem>> -> memref<400xi32, #tpu.memory_space<vmem>>
        %dma_wait3A_244 = arith.constant 0 : i32
        %dma_wait3A_245 = arith.constant 0 : i32
        %dma_wait3A_246 = tpu.memref_slice %arg5[%dma_wait3A_244, %dma_wait3A_245] : memref<50000x32xf32, #tpu.memory_space<vmem_shared>> -> memref<50000x32xf32, #tpu.memory_space<vmem_shared>>
        tpu.wait_indirect_dma semaphore(%run_scoped3A_234 : memref<!tpu.dma_semaphore, #tpu.memory_space<semaphore_mem>>) src(%arg8 : memref<400x32xf32, #tpu.memory_space<vmem>>) dst(%dma_wait3A_246 : memref<50000x32xf32, #tpu.memory_space<vmem_shared>>)
        tpu.yield
      }) : () -> ()
      %mul3A_193 = arith.constant 2 : i32
      %mul3A_194 = arith.muli %mul3A_193, %add3A_108 : i32
      %add3A_195 = arith.constant 2 : i32
      %add3A_196 = arith.addi %mul3A_194, %add3A_195 : i32
      %mul3A_197 = arith.constant 400 : i32
      %mul3A_198 = arith.muli %add3A_196, %mul3A_197 : i32
      %add3A_199 = arith.addi %mul3A_11, %mul3A_198 : i32
      %add3A_200 = arith.constant 800000 : i32
      %add3A_201 = arith.addi %add3A_200, %add3A_199 : i32
      %dma_start3A_202 = arith.constant 0 : i32
      %dma_start3A_203 = arith.constant 0 : i32
      %dma_start3A_204 = tpu.memref_slice %arg6[%dma_start3A_202, %dma_start3A_203] : memref<2x400xi32, #tpu.memory_space<vmem>> -> memref<1x400xi32, #tpu.memory_space<vmem>>
      %dma_start3A_205 = tpu.memref_squeeze %dma_start3A_204 : memref<1x400xi32, #tpu.memory_space<vmem>> -> memref<400xi32, #tpu.memory_space<vmem>>
      %dma_start3A_206 = tpu.memref_slice %arg3[%add3A_199] : memref<1600000xi32, #tpu.memory_space<hbm>> -> memref<400xi32, #tpu.memory_space<hbm>>
      %dma_start3A_207 = arith.constant 0 : i32
      %dma_start3A_208 = tpu.memref_slice %arg6[%dma_start3A_202, %dma_start3A_207] : memref<2x400xi32, #tpu.memory_space<vmem>> -> memref<1x400xi32, #tpu.memory_space<vmem>>
      %dma_start3A_209 = tpu.memref_squeeze %dma_start3A_208 : memref<1x400xi32, #tpu.memory_space<vmem>> -> memref<400xi32, #tpu.memory_space<vmem>>
      %dma_start3A_210 = tpu.memref_slice %arg3[%add3A_199] : memref<1600000xi32, #tpu.memory_space<hbm>> -> memref<400xi32, #tpu.memory_space<hbm>>
      tpu.enqueue_dma source(%dma_start3A_210 : memref<400xi32, #tpu.memory_space<hbm>>) target(%dma_start3A_209 : memref<400xi32, #tpu.memory_space<vmem>>) target_semaphore(%arg10 : memref<!tpu.dma_semaphore, #tpu.memory_space<semaphore_mem>>)
      %dma_start3A_211 = arith.constant 1 : i32
      %dma_start3A_212 = arith.constant 0 : i32
      %dma_start3A_213 = tpu.memref_slice %arg6[%dma_start3A_211, %dma_start3A_212] : memref<2x400xi32, #tpu.memory_space<vmem>> -> memref<1x400xi32, #tpu.memory_space<vmem>>
      %dma_start3A_214 = tpu.memref_squeeze %dma_start3A_213 : memref<1x400xi32, #tpu.memory_space<vmem>> -> memref<400xi32, #tpu.memory_space<vmem>>
      %dma_start3A_215 = tpu.memref_slice %arg3[%add3A_201] : memref<1600000xi32, #tpu.memory_space<hbm>> -> memref<400xi32, #tpu.memory_space<hbm>>
      %dma_start3A_216 = arith.constant 0 : i32
      %dma_start3A_217 = tpu.memref_slice %arg6[%dma_start3A_211, %dma_start3A_216] : memref<2x400xi32, #tpu.memory_space<vmem>> -> memref<1x400xi32, #tpu.memory_space<vmem>>
      %dma_start3A_218 = tpu.memref_squeeze %dma_start3A_217 : memref<1x400xi32, #tpu.memory_space<vmem>> -> memref<400xi32, #tpu.memory_space<vmem>>
      %dma_start3A_219 = tpu.memref_slice %arg3[%add3A_201] : memref<1600000xi32, #tpu.memory_space<hbm>> -> memref<400xi32, #tpu.memory_space<hbm>>
      tpu.enqueue_dma source(%dma_start3A_219 : memref<400xi32, #tpu.memory_space<hbm>>) target(%dma_start3A_218 : memref<400xi32, #tpu.memory_space<vmem>>) target_semaphore(%arg10 : memref<!tpu.dma_semaphore, #tpu.memory_space<semaphore_mem>>)
      %dma_wait3A_220 = arith.constant 0 : i32
      %dma_wait3A_221 = arith.constant 0 : i32
      %dma_wait3A_222 = tpu.memref_slice %arg7[%dma_wait3A_220, %dma_wait3A_221] : memref<2x400xi32, #tpu.memory_space<vmem>> -> memref<1x400xi32, #tpu.memory_space<vmem>>
      %dma_wait3A_223 = tpu.memref_squeeze %dma_wait3A_222 : memref<1x400xi32, #tpu.memory_space<vmem>> -> memref<400xi32, #tpu.memory_space<vmem>>
      %dma_wait3A_224 = arith.constant 0 : i32
      %dma_wait3A_225 = arith.constant 0 : i32
      %dma_wait3A_226 = tpu.memref_slice %arg2[%dma_wait3A_224, %dma_wait3A_225] : memref<200000x32xf32, #tpu.memory_space<hbm>> -> memref<200000x32xf32, #tpu.memory_space<hbm>>
      tpu.wait_indirect_dma semaphore(%arg13 : memref<!tpu.dma_semaphore, #tpu.memory_space<semaphore_mem>>) src(%dma_wait3A_226 : memref<200000x32xf32, #tpu.memory_space<hbm>>) dst(%arg9 : memref<400x32xf32, #tpu.memory_space<vmem>>)
      %run_scoped3A_227 = arith.constant 1 : i32
      "tpu.region"() ({
        %run_scoped3A_234 = tpu.sem_alloc : memref<!tpu.dma_semaphore, #tpu.memory_space<semaphore_mem>>
        %dma_start3A_235 = arith.constant 0 : i32
        %dma_start3A_236 = tpu.memref_slice %arg7[%run_scoped3A_227, %dma_start3A_235] : memref<2x400xi32, #tpu.memory_space<vmem>> -> memref<1x400xi32, #tpu.memory_space<vmem>>
        %dma_start3A_237 = tpu.memref_squeeze %dma_start3A_236 : memref<1x400xi32, #tpu.memory_space<vmem>> -> memref<400xi32, #tpu.memory_space<vmem>>
        %dma_start3A_238 = arith.constant 0 : i32
        %dma_start3A_239 = arith.constant 0 : i32
        %dma_start3A_240 = tpu.memref_slice %arg5[%dma_start3A_238, %dma_start3A_239] : memref<50000x32xf32, #tpu.memory_space<vmem_shared>> -> memref<50000x32xf32, #tpu.memory_space<vmem_shared>>
        tpu.enqueue_indirect_dma source(%arg9 : memref<400x32xf32, #tpu.memory_space<vmem>>) target(%dma_start3A_240 : memref<50000x32xf32, #tpu.memory_space<vmem_shared>>) offsets(%dma_start3A_237 : memref<400xi32, #tpu.memory_space<vmem>>) semaphore(%run_scoped3A_234 : memref<!tpu.dma_semaphore, #tpu.memory_space<semaphore_mem>>) {add = true}
        %dma_wait3A_241 = arith.constant 0 : i32
        %dma_wait3A_242 = tpu.memref_slice %arg7[%run_scoped3A_227, %dma_wait3A_241] : memref<2x400xi32, #tpu.memory_space<vmem>> -> memref<1x400xi32, #tpu.memory_space<vmem>>
        %dma_wait3A_243 = tpu.memref_squeeze %dma_wait3A_242 : memref<1x400xi32, #tpu.memory_space<vmem>> -> memref<400xi32, #tpu.memory_space<vmem>>
        %dma_wait3A_244 = arith.constant 0 : i32
        %dma_wait3A_245 = arith.constant 0 : i32
        %dma_wait3A_246 = tpu.memref_slice %arg5[%dma_wait3A_244, %dma_wait3A_245] : memref<50000x32xf32, #tpu.memory_space<vmem_shared>> -> memref<50000x32xf32, #tpu.memory_space<vmem_shared>>
        tpu.wait_indirect_dma semaphore(%run_scoped3A_234 : memref<!tpu.dma_semaphore, #tpu.memory_space<semaphore_mem>>) src(%arg9 : memref<400x32xf32, #tpu.memory_space<vmem>>) dst(%dma_wait3A_246 : memref<50000x32xf32, #tpu.memory_space<vmem_shared>>)
        tpu.yield
      }) : () -> ()
      %mul3A_228 = arith.constant 2 : i32
      %mul3A_229 = arith.muli %mul3A_228, %add3A_108 : i32
      %add3A_230 = arith.constant 3 : i32
      %add3A_231 = arith.addi %mul3A_229, %add3A_230 : i32
      %lt3A = arith.constant 125 : i32
      %lt3A_232 = arith.cmpi slt, %add3A_231, %lt3A : i32
      %convert_element_type3A = arith.extui %lt3A_232 : i1 to i32
      %cond3A = arith.constant 0 : i32
      %cond3A_233 = arith.cmpi ne, %convert_element_type3A, %cond3A : i32
      scf.if %cond3A_233 {
        %mul3A_234 = arith.constant 2 : i32
        %mul3A_235 = arith.muli %mul3A_234, %add3A_108 : i32
        %add3A_236 = arith.constant 3 : i32
        %add3A_237 = arith.addi %mul3A_235, %add3A_236 : i32
        %mul3A_238 = arith.constant 400 : i32
        %mul3A_239 = arith.muli %add3A_237, %mul3A_238 : i32
        %add3A_240 = arith.addi %mul3A_11, %mul3A_239 : i32
        %add3A_241 = arith.constant 800000 : i32
        %add3A_242 = arith.addi %add3A_241, %add3A_240 : i32
        %dma_start3A_243 = arith.constant 0 : i32
        %dma_start3A_244 = arith.constant 0 : i32
        %dma_start3A_245 = tpu.memref_slice %arg7[%dma_start3A_243, %dma_start3A_244] : memref<2x400xi32, #tpu.memory_space<vmem>> -> memref<1x400xi32, #tpu.memory_space<vmem>>
        %dma_start3A_246 = tpu.memref_squeeze %dma_start3A_245 : memref<1x400xi32, #tpu.memory_space<vmem>> -> memref<400xi32, #tpu.memory_space<vmem>>
        %dma_start3A_247 = tpu.memref_slice %arg3[%add3A_240] : memref<1600000xi32, #tpu.memory_space<hbm>> -> memref<400xi32, #tpu.memory_space<hbm>>
        %dma_start3A_248 = arith.constant 0 : i32
        %dma_start3A_249 = tpu.memref_slice %arg7[%dma_start3A_243, %dma_start3A_248] : memref<2x400xi32, #tpu.memory_space<vmem>> -> memref<1x400xi32, #tpu.memory_space<vmem>>
        %dma_start3A_250 = tpu.memref_squeeze %dma_start3A_249 : memref<1x400xi32, #tpu.memory_space<vmem>> -> memref<400xi32, #tpu.memory_space<vmem>>
        %dma_start3A_251 = tpu.memref_slice %arg3[%add3A_240] : memref<1600000xi32, #tpu.memory_space<hbm>> -> memref<400xi32, #tpu.memory_space<hbm>>
        tpu.enqueue_dma source(%dma_start3A_251 : memref<400xi32, #tpu.memory_space<hbm>>) target(%dma_start3A_250 : memref<400xi32, #tpu.memory_space<vmem>>) target_semaphore(%arg11 : memref<!tpu.dma_semaphore, #tpu.memory_space<semaphore_mem>>)
        %dma_start3A_252 = arith.constant 1 : i32
        %dma_start3A_253 = arith.constant 0 : i32
        %dma_start3A_254 = tpu.memref_slice %arg7[%dma_start3A_252, %dma_start3A_253] : memref<2x400xi32, #tpu.memory_space<vmem>> -> memref<1x400xi32, #tpu.memory_space<vmem>>
        %dma_start3A_255 = tpu.memref_squeeze %dma_start3A_254 : memref<1x400xi32, #tpu.memory_space<vmem>> -> memref<400xi32, #tpu.memory_space<vmem>>
        %dma_start3A_256 = tpu.memref_slice %arg3[%add3A_242] : memref<1600000xi32, #tpu.memory_space<hbm>> -> memref<400xi32, #tpu.memory_space<hbm>>
        %dma_start3A_257 = arith.constant 0 : i32
        %dma_start3A_258 = tpu.memref_slice %arg7[%dma_start3A_252, %dma_start3A_257] : memref<2x400xi32, #tpu.memory_space<vmem>> -> memref<1x400xi32, #tpu.memory_space<vmem>>
        %dma_start3A_259 = tpu.memref_squeeze %dma_start3A_258 : memref<1x400xi32, #tpu.memory_space<vmem>> -> memref<400xi32, #tpu.memory_space<vmem>>
        %dma_start3A_260 = tpu.memref_slice %arg3[%add3A_242] : memref<1600000xi32, #tpu.memory_space<hbm>> -> memref<400xi32, #tpu.memory_space<hbm>>
        tpu.enqueue_dma source(%dma_start3A_260 : memref<400xi32, #tpu.memory_space<hbm>>) target(%dma_start3A_259 : memref<400xi32, #tpu.memory_space<vmem>>) target_semaphore(%arg11 : memref<!tpu.dma_semaphore, #tpu.memory_space<semaphore_mem>>)
      } else {
      }
    }
    %scan3A_58 = arith.constant 62 : i32
    %add3A_59 = arith.constant 49600 : i32
    %add3A_60 = arith.addi %mul3A_11, %add3A_59 : i32
    %add3A_61 = arith.constant 800000 : i32
    %add3A_62 = arith.addi %add3A_61, %add3A_60 : i32
    %dma_wait3A = arith.constant 0 : i32
    %dma_wait3A_63 = arith.constant 0 : i32
    %dma_wait3A_64 = tpu.memref_slice %arg6[%dma_wait3A, %dma_wait3A_63] : memref<2x400xi32, #tpu.memory_space<vmem>> -> memref<1x400xi32, #tpu.memory_space<vmem>>
    %dma_wait3A_65 = tpu.memref_squeeze %dma_wait3A_64 : memref<1x400xi32, #tpu.memory_space<vmem>> -> memref<400xi32, #tpu.memory_space<vmem>>
    %dma_wait3A_66 = tpu.memref_slice %arg3[%add3A_60] : memref<1600000xi32, #tpu.memory_space<hbm>> -> memref<400xi32, #tpu.memory_space<hbm>>
    %dma_wait3A_67 = arith.constant 0 : i32
    %dma_wait3A_68 = tpu.memref_slice %arg6[%dma_wait3A, %dma_wait3A_67] : memref<2x400xi32, #tpu.memory_space<vmem>> -> memref<1x400xi32, #tpu.memory_space<vmem>>
    %dma_wait3A_69 = tpu.memref_squeeze %dma_wait3A_68 : memref<1x400xi32, #tpu.memory_space<vmem>> -> memref<400xi32, #tpu.memory_space<vmem>>
    %dma_wait3A_70 = tpu.memref_slice %arg3[%add3A_60] : memref<1600000xi32, #tpu.memory_space<hbm>> -> memref<400xi32, #tpu.memory_space<hbm>>
    tpu.wait_dma2 semaphore(%arg10 : memref<!tpu.dma_semaphore, #tpu.memory_space<semaphore_mem>>) src(%dma_wait3A_70 : memref<400xi32, #tpu.memory_space<hbm>>) dst(%dma_wait3A_69 : memref<400xi32, #tpu.memory_space<vmem>>)
    %dma_wait3A_71 = arith.constant 1 : i32
    %dma_wait3A_72 = arith.constant 0 : i32
    %dma_wait3A_73 = tpu.memref_slice %arg6[%dma_wait3A_71, %dma_wait3A_72] : memref<2x400xi32, #tpu.memory_space<vmem>> -> memref<1x400xi32, #tpu.memory_space<vmem>>
    %dma_wait3A_74 = tpu.memref_squeeze %dma_wait3A_73 : memref<1x400xi32, #tpu.memory_space<vmem>> -> memref<400xi32, #tpu.memory_space<vmem>>
    %dma_wait3A_75 = tpu.memref_slice %arg3[%add3A_62] : memref<1600000xi32, #tpu.memory_space<hbm>> -> memref<400xi32, #tpu.memory_space<hbm>>
    %dma_wait3A_76 = arith.constant 0 : i32
    %dma_wait3A_77 = tpu.memref_slice %arg6[%dma_wait3A_71, %dma_wait3A_76] : memref<2x400xi32, #tpu.memory_space<vmem>> -> memref<1x400xi32, #tpu.memory_space<vmem>>
    %dma_wait3A_78 = tpu.memref_squeeze %dma_wait3A_77 : memref<1x400xi32, #tpu.memory_space<vmem>> -> memref<400xi32, #tpu.memory_space<vmem>>
    %dma_wait3A_79 = tpu.memref_slice %arg3[%add3A_62] : memref<1600000xi32, #tpu.memory_space<hbm>> -> memref<400xi32, #tpu.memory_space<hbm>>
    tpu.wait_dma2 semaphore(%arg10 : memref<!tpu.dma_semaphore, #tpu.memory_space<semaphore_mem>>) src(%dma_wait3A_79 : memref<400xi32, #tpu.memory_space<hbm>>) dst(%dma_wait3A_78 : memref<400xi32, #tpu.memory_space<vmem>>)
    %scan3A_80 = arith.constant 0 : i32
    %scan3A_81 = arith.constant 25 : i32
    %scan3A_82 = arith.addi %scan3A_80, %scan3A_81 : i32
    %scan3A_83 = arith.constant 1 : i32
    scf.for %scan3A_104 = %scan3A_80 to %scan3A_82 step %scan3A_83  : i32 {
      %mul3A_105 = arith.constant 16 : i32
      %mul3A_106 = arith.muli %scan3A_104, %mul3A_105 : i32
      %add3A_107 = arith.constant 0 : i32
      %add3A_108 = arith.addi %add3A_107, %mul3A_106 : i32
      %get3A = arith.constant 0 : i32
      %get3A_109 = arith.index_cast %get3A : i32 to index
      %get3A_110 = arith.index_cast %add3A_108 : i32 to index
      %get3A_111 = tpu.vector_load %arg6[%get3A_109, %get3A_110] {strides = array<i32>} : memref<2x400xi32, #tpu.memory_space<vmem>>, vector<16xi32>,
      %mul3A_112 = arith.constant 4 : i32
      %mul3A_113 = vector.broadcast %mul3A_112 : i32 to vector<16xi32>
      %mul3A_114 = arith.muli %get3A_111, %mul3A_113 : vector<16xi32>
      %add3A_115 = vector.broadcast %arg0 : i32 to vector<16xi32>
      %add3A_116 = arith.addi %mul3A_114, %add3A_115 : vector<16xi32>
      %swap3A = arith.constant 0 : i32
      %swap3A_117 = arith.index_cast %swap3A : i32 to index
      %swap3A_118 = arith.index_cast %add3A_108 : i32 to index
      %swap3A_119 = tpu.vector_load %arg6[%swap3A_117, %swap3A_118] {strides = array<i32>} : memref<2x400xi32, #tpu.memory_space<vmem>>, vector<16xi32>,
      tpu.vector_store %arg6[%swap3A_117, %swap3A_118], %add3A_116 {strides = array<i32>} : memref<2x400xi32, #tpu.memory_space<vmem>>, vector<16xi32>,
    }
    %scan3A_84 = arith.constant 25 : i32
    %dma_start3A_85 = arith.constant 0 : i32
    %dma_start3A_86 = arith.constant 0 : i32
    %dma_start3A_87 = tpu.memref_slice %arg6[%dma_start3A_85, %dma_start3A_86] : memref<2x400xi32, #tpu.memory_space<vmem>> -> memref<1x400xi32, #tpu.memory_space<vmem>>
    %dma_start3A_88 = tpu.memref_squeeze %dma_start3A_87 : memref<1x400xi32, #tpu.memory_space<vmem>> -> memref<400xi32, #tpu.memory_space<vmem>>
    %dma_start3A_89 = arith.constant 0 : i32
    %dma_start3A_90 = arith.constant 0 : i32
    %dma_start3A_91 = tpu.memref_slice %arg2[%dma_start3A_89, %dma_start3A_90] : memref<200000x32xf32, #tpu.memory_space<hbm>> -> memref<200000x32xf32, #tpu.memory_space<hbm>>
    tpu.enqueue_indirect_dma source(%dma_start3A_91 : memref<200000x32xf32, #tpu.memory_space<hbm>>) target(%arg8 : memref<400x32xf32, #tpu.memory_space<vmem>>) offsets(%dma_start3A_88 : memref<400xi32, #tpu.memory_space<vmem>>) semaphore(%arg12 : memref<!tpu.dma_semaphore, #tpu.memory_space<semaphore_mem>>)
    %dma_wait3A_92 = arith.constant 0 : i32
    %dma_wait3A_93 = arith.constant 0 : i32
    %dma_wait3A_94 = tpu.memref_slice %arg6[%dma_wait3A_92, %dma_wait3A_93] : memref<2x400xi32, #tpu.memory_space<vmem>> -> memref<1x400xi32, #tpu.memory_space<vmem>>
    %dma_wait3A_95 = tpu.memref_squeeze %dma_wait3A_94 : memref<1x400xi32, #tpu.memory_space<vmem>> -> memref<400xi32, #tpu.memory_space<vmem>>
    %dma_wait3A_96 = arith.constant 0 : i32
    %dma_wait3A_97 = arith.constant 0 : i32
    %dma_wait3A_98 = tpu.memref_slice %arg2[%dma_wait3A_96, %dma_wait3A_97] : memref<200000x32xf32, #tpu.memory_space<hbm>> -> memref<200000x32xf32, #tpu.memory_space<hbm>>
    tpu.wait_indirect_dma semaphore(%arg12 : memref<!tpu.dma_semaphore, #tpu.memory_space<semaphore_mem>>) src(%dma_wait3A_98 : memref<200000x32xf32, #tpu.memory_space<hbm>>) dst(%arg8 : memref<400x32xf32, #tpu.memory_space<vmem>>)
    %run_scoped3A = arith.constant 1 : i32
    "tpu.region"() ({
      %run_scoped3A_104 = tpu.sem_alloc : memref<!tpu.dma_semaphore, #tpu.memory_space<semaphore_mem>>
      %dma_start3A_105 = arith.constant 0 : i32
      %dma_start3A_106 = tpu.memref_slice %arg6[%run_scoped3A, %dma_start3A_105] : memref<2x400xi32, #tpu.memory_space<vmem>> -> memref<1x400xi32, #tpu.memory_space<vmem>>
      %dma_start3A_107 = tpu.memref_squeeze %dma_start3A_106 : memref<1x400xi32, #tpu.memory_space<vmem>> -> memref<400xi32, #tpu.memory_space<vmem>>
      %dma_start3A_108 = arith.constant 0 : i32
      %dma_start3A_109 = arith.constant 0 : i32
      %dma_start3A_110 = tpu.memref_slice %arg5[%dma_start3A_108, %dma_start3A_109] : memref<50000x32xf32, #tpu.memory_space<vmem_shared>> -> memref<50000x32xf32, #tpu.memory_space<vmem_shared>>
      tpu.enqueue_indirect_dma source(%arg8 : memref<400x32xf32, #tpu.memory_space<vmem>>) target(%dma_start3A_110 : memref<50000x32xf32, #tpu.memory_space<vmem_shared>>) offsets(%dma_start3A_107 : memref<400xi32, #tpu.memory_space<vmem>>) semaphore(%run_scoped3A_104 : memref<!tpu.dma_semaphore, #tpu.memory_space<semaphore_mem>>) {add = true}
      %dma_wait3A_111 = arith.constant 0 : i32
      %dma_wait3A_112 = tpu.memref_slice %arg6[%run_scoped3A, %dma_wait3A_111] : memref<2x400xi32, #tpu.memory_space<vmem>> -> memref<1x400xi32, #tpu.memory_space<vmem>>
      %dma_wait3A_113 = tpu.memref_squeeze %dma_wait3A_112 : memref<1x400xi32, #tpu.memory_space<vmem>> -> memref<400xi32, #tpu.memory_space<vmem>>
      %dma_wait3A_114 = arith.constant 0 : i32
      %dma_wait3A_115 = arith.constant 0 : i32
      %dma_wait3A_116 = tpu.memref_slice %arg5[%dma_wait3A_114, %dma_wait3A_115] : memref<50000x32xf32, #tpu.memory_space<vmem_shared>> -> memref<50000x32xf32, #tpu.memory_space<vmem_shared>>
      tpu.wait_indirect_dma semaphore(%run_scoped3A_104 : memref<!tpu.dma_semaphore, #tpu.memory_space<semaphore_mem>>) src(%arg8 : memref<400x32xf32, #tpu.memory_space<vmem>>) dst(%dma_wait3A_116 : memref<50000x32xf32, #tpu.memory_space<vmem_shared>>)
      tpu.yield
    }) : () -> ()
    %barrier3A_99 = arith.constant 0 : index
    tpu.barrier barrier_id(%barrier3A_99)
    %mul3A_100 = arith.constant 3125 : i32
    %mul3A_101 = arith.muli %arg1, %mul3A_100 : i32
    %mul3A_102 = arith.constant 32 : i32
    %mul3A_103 = arith.muli %mul3A_102, %arg0 : i32
    "tpu.region"() ({
      %run_scoped3A_104 = tpu.sem_alloc : memref<!tpu.dma_semaphore, #tpu.memory_space<semaphore_mem>>
      %dma_start3A_105 = tpu.memref_slice %arg4[%mul3A_101, %mul3A_103] : memref<50000x128xf32, #tpu.memory_space<hbm>> -> memref<3125x32xf32, #tpu.memory_space<hbm>>
      %dma_start3A_106 = arith.constant 0 : i32
      %dma_start3A_107 = tpu.memref_slice %arg5[%mul3A_101, %dma_start3A_106] : memref<50000x32xf32, #tpu.memory_space<vmem_shared>> -> memref<3125x32xf32, #tpu.memory_space<vmem_shared>>
      tpu.enqueue_dma source(%dma_start3A_107 : memref<3125x32xf32, #tpu.memory_space<vmem_shared>>) target(%dma_start3A_105 : memref<3125x32xf32, #tpu.memory_space<hbm>>) target_semaphore(%run_scoped3A_104 : memref<!tpu.dma_semaphore, #tpu.memory_space<semaphore_mem>>)
      %dma_wait3A_108 = tpu.memref_slice %arg4[%mul3A_101, %mul3A_103] : memref<50000x128xf32, #tpu.memory_space<hbm>> -> memref<3125x32xf32, #tpu.memory_space<hbm>>
      %dma_wait3A_109 = arith.constant 0 : i32
      %dma_wait3A_110 = tpu.memref_slice %arg5[%mul3A_101, %dma_wait3A_109] : memref<50000x32xf32, #tpu.memory_space<vmem_shared>> -> memref<3125x32xf32, #tpu.memory_space<vmem_shared>>
      tpu.wait_dma2 semaphore(%run_scoped3A_104 : memref<!tpu.dma_semaphore, #tpu.memory_space<semaphore_mem>>) src(%dma_wait3A_110 : memref<3125x32xf32, #tpu.memory_space<vmem_shared>>) dst(%dma_wait3A_108 : memref<3125x32xf32, #tpu.memory_space<hbm>>)
      tpu.yield
    }) : () -> ()
    return
  }
}

#map = affine_map<(d0, d1) -> (0)>
#map1 = affine_map<(d0, d1) -> (0, 0)>
module attributes {stable_mosaic.version = 14 : i64} {
  func.func @deg_kernel(%arg0: i32, %arg1: i32, %arg2: memref<1600000xi32, #tpu.memory_space<hbm>>, %arg3: memref<2x50176xf32, #tpu.memory_space<hbm>>, %arg4: memref<50176x16xf32, #tpu.memory_space<vmem_shared>>, %arg5: memref<1000xi32, #tpu.memory_space<vmem>>, %arg6: memref<1000x16xf32, #tpu.memory_space<vmem>>, %arg7: memref<3136x16xf32, #tpu.memory_space<vmem>>, %arg8: memref<3136xf32, #tpu.memory_space<vmem>>) attributes {dimension_semantics = [#tpu.dimension_semantics<core_parallel>, #tpu.dimension_semantics<subcore_parallel>], iteration_bounds = array<i64: 2, 16>, scalar_prefetch = 0 : i64, scratch_operands = 5 : i64, tpu.core_type = #tpu.core_type<sc_vector_subcore>, window_params = [{transform_indices = #map}, {transform_indices = #map1}]} {
    %scan3A = arith.constant 0 : i32
    %scan3A_0 = arith.constant 1000 : i32
    %scan3A_1 = arith.addi %scan3A, %scan3A_0 : i32
    %scan3A_2 = arith.constant 1 : i32
    scf.for %scan3A_28 = %scan3A to %scan3A_1 step %scan3A_2  : i32 {
      %mul3A_29 = arith.constant 1 : i32
      %mul3A_30 = arith.muli %scan3A_28, %mul3A_29 : i32
      %add3A_31 = arith.constant 0 : i32
      %add3A_32 = arith.addi %add3A_31, %mul3A_30 : i32
      %broadcast_in_dim3A_33 = arith.constant 1.000000e+00 : f32
      %broadcast_in_dim3A_34 = vector.broadcast %broadcast_in_dim3A_33 : f32 to vector<16xf32>
      %swap3A = arith.index_cast %add3A_32 : i32 to index
      %swap3A_35 = arith.constant 0 : index
      %swap3A_36 = tpu.vector_load %arg6[%swap3A, %swap3A_35] {strides = array<i32>} : memref<1000x16xf32, #tpu.memory_space<vmem>>, vector<16xf32>,
      tpu.vector_store %arg6[%swap3A, %swap3A_35], %broadcast_in_dim3A_34 {strides = array<i32>} : memref<1000x16xf32, #tpu.memory_space<vmem>>, vector<16xf32>,
    }
    %scan3A_3 = arith.constant 1000 : i32
    %scan3A_4 = arith.constant 0 : i32
    %scan3A_5 = arith.constant 3136 : i32
    %scan3A_6 = arith.addi %scan3A_4, %scan3A_5 : i32
    %scan3A_7 = arith.constant 1 : i32
    scf.for %scan3A_28 = %scan3A_4 to %scan3A_6 step %scan3A_7  : i32 {
      %mul3A_29 = arith.constant 1 : i32
      %mul3A_30 = arith.muli %scan3A_28, %mul3A_29 : i32
      %add3A_31 = arith.constant 0 : i32
      %add3A_32 = arith.addi %add3A_31, %mul3A_30 : i32
      %broadcast_in_dim3A_33 = arith.constant 0.000000e+00 : f32
      %broadcast_in_dim3A_34 = vector.broadcast %broadcast_in_dim3A_33 : f32 to vector<16xf32>
      %swap3A = arith.index_cast %add3A_32 : i32 to index
      %swap3A_35 = arith.constant 0 : index
      %swap3A_36 = tpu.vector_load %arg7[%swap3A, %swap3A_35] {strides = array<i32>} : memref<3136x16xf32, #tpu.memory_space<vmem>>, vector<16xf32>,
      tpu.vector_store %arg7[%swap3A, %swap3A_35], %broadcast_in_dim3A_34 {strides = array<i32>} : memref<3136x16xf32, #tpu.memory_space<vmem>>, vector<16xf32>,
    }
    %scan3A_8 = arith.constant 3136 : i32
    %mul3A = arith.constant 3136 : i32
    %mul3A_9 = arith.muli %arg1, %mul3A : i32
    "tpu.region"() ({
      %run_scoped3A = tpu.sem_alloc : memref<!tpu.dma_semaphore, #tpu.memory_space<semaphore_mem>>
      %dma_start3A = arith.constant 0 : i32
      %dma_start3A_28 = tpu.memref_slice %arg4[%mul3A_9, %dma_start3A] : memref<50176x16xf32, #tpu.memory_space<vmem_shared>> -> memref<3136x16xf32, #tpu.memory_space<vmem_shared>>
      %dma_start3A_29 = arith.constant 0 : i32
      %dma_start3A_30 = tpu.memref_slice %arg4[%mul3A_9, %dma_start3A_29] : memref<50176x16xf32, #tpu.memory_space<vmem_shared>> -> memref<3136x16xf32, #tpu.memory_space<vmem_shared>>
      tpu.enqueue_dma source(%arg7 : memref<3136x16xf32, #tpu.memory_space<vmem>>) target(%dma_start3A_30 : memref<3136x16xf32, #tpu.memory_space<vmem_shared>>) target_semaphore(%run_scoped3A : memref<!tpu.dma_semaphore, #tpu.memory_space<semaphore_mem>>)
      %dma_wait3A = arith.constant 0 : i32
      %dma_wait3A_31 = tpu.memref_slice %arg4[%mul3A_9, %dma_wait3A] : memref<50176x16xf32, #tpu.memory_space<vmem_shared>> -> memref<3136x16xf32, #tpu.memory_space<vmem_shared>>
      %dma_wait3A_32 = arith.constant 0 : i32
      %dma_wait3A_33 = tpu.memref_slice %arg4[%mul3A_9, %dma_wait3A_32] : memref<50176x16xf32, #tpu.memory_space<vmem_shared>> -> memref<3136x16xf32, #tpu.memory_space<vmem_shared>>
      tpu.wait_dma2 semaphore(%run_scoped3A : memref<!tpu.dma_semaphore, #tpu.memory_space<semaphore_mem>>) src(%arg7 : memref<3136x16xf32, #tpu.memory_space<vmem>>) dst(%dma_wait3A_33 : memref<3136x16xf32, #tpu.memory_space<vmem_shared>>)
      tpu.yield
    }) : () -> ()
    %barrier3A = arith.constant 0 : index
    tpu.barrier barrier_id(%barrier3A)
    %mul3A_10 = arith.constant 16 : i32
    %mul3A_11 = arith.muli %arg0, %mul3A_10 : i32
    %add3A = arith.addi %mul3A_11, %arg1 : i32
    %scan3A_12 = arith.constant 0 : i32
    %scan3A_13 = arith.constant 25 : i32
    %scan3A_14 = arith.addi %scan3A_12, %scan3A_13 : i32
    %scan3A_15 = arith.constant 1 : i32
    scf.for %scan3A_28 = %scan3A_12 to %scan3A_14 step %scan3A_15  : i32 {
      %mul3A_29 = arith.constant 1 : i32
      %mul3A_30 = arith.muli %scan3A_28, %mul3A_29 : i32
      %add3A_31 = arith.constant 0 : i32
      %add3A_32 = arith.addi %add3A_31, %mul3A_30 : i32
      %mul3A_33 = arith.constant 25000 : i32
      %mul3A_34 = arith.muli %add3A, %mul3A_33 : i32
      %add3A_35 = arith.constant 800000 : i32
      %add3A_36 = arith.addi %add3A_35, %mul3A_34 : i32
      %mul3A_37 = arith.constant 1000 : i32
      %mul3A_38 = arith.muli %add3A_32, %mul3A_37 : i32
      %add3A_39 = arith.addi %add3A_36, %mul3A_38 : i32
      "tpu.region"() ({
        %run_scoped3A = tpu.sem_alloc : memref<!tpu.dma_semaphore, #tpu.memory_space<semaphore_mem>>
        %dma_start3A = tpu.memref_slice %arg2[%add3A_39] : memref<1600000xi32, #tpu.memory_space<hbm>> -> memref<1000xi32, #tpu.memory_space<hbm>>
        %dma_start3A_40 = tpu.memref_slice %arg2[%add3A_39] : memref<1600000xi32, #tpu.memory_space<hbm>> -> memref<1000xi32, #tpu.memory_space<hbm>>
        tpu.enqueue_dma source(%dma_start3A_40 : memref<1000xi32, #tpu.memory_space<hbm>>) target(%arg5 : memref<1000xi32, #tpu.memory_space<vmem>>) target_semaphore(%run_scoped3A : memref<!tpu.dma_semaphore, #tpu.memory_space<semaphore_mem>>)
        %dma_wait3A = tpu.memref_slice %arg2[%add3A_39] : memref<1600000xi32, #tpu.memory_space<hbm>> -> memref<1000xi32, #tpu.memory_space<hbm>>
        %dma_wait3A_41 = tpu.memref_slice %arg2[%add3A_39] : memref<1600000xi32, #tpu.memory_space<hbm>> -> memref<1000xi32, #tpu.memory_space<hbm>>
        tpu.wait_dma2 semaphore(%run_scoped3A : memref<!tpu.dma_semaphore, #tpu.memory_space<semaphore_mem>>) src(%dma_wait3A_41 : memref<1000xi32, #tpu.memory_space<hbm>>) dst(%arg5 : memref<1000xi32, #tpu.memory_space<vmem>>)
        tpu.yield
      }) : () -> ()
      "tpu.region"() ({
        %run_scoped3A = tpu.sem_alloc : memref<!tpu.dma_semaphore, #tpu.memory_space<semaphore_mem>>
        %dma_start3A = arith.constant 0 : i32
        %dma_start3A_40 = arith.constant 0 : i32
        %dma_start3A_41 = tpu.memref_slice %arg4[%dma_start3A, %dma_start3A_40] : memref<50176x16xf32, #tpu.memory_space<vmem_shared>> -> memref<50176x16xf32, #tpu.memory_space<vmem_shared>>
        tpu.enqueue_indirect_dma source(%arg6 : memref<1000x16xf32, #tpu.memory_space<vmem>>) target(%dma_start3A_41 : memref<50176x16xf32, #tpu.memory_space<vmem_shared>>) offsets(%arg5 : memref<1000xi32, #tpu.memory_space<vmem>>) semaphore(%run_scoped3A : memref<!tpu.dma_semaphore, #tpu.memory_space<semaphore_mem>>) {add = true}
        %dma_wait3A = arith.constant 0 : i32
        %dma_wait3A_42 = arith.constant 0 : i32
        %dma_wait3A_43 = tpu.memref_slice %arg4[%dma_wait3A, %dma_wait3A_42] : memref<50176x16xf32, #tpu.memory_space<vmem_shared>> -> memref<50176x16xf32, #tpu.memory_space<vmem_shared>>
        tpu.wait_indirect_dma semaphore(%run_scoped3A : memref<!tpu.dma_semaphore, #tpu.memory_space<semaphore_mem>>) src(%arg6 : memref<1000x16xf32, #tpu.memory_space<vmem>>) dst(%dma_wait3A_43 : memref<50176x16xf32, #tpu.memory_space<vmem_shared>>)
        tpu.yield
      }) : () -> ()
    }
    %scan3A_16 = arith.constant 25 : i32
    %barrier3A_17 = arith.constant 0 : index
    tpu.barrier barrier_id(%barrier3A_17)
    %mul3A_18 = arith.constant 3136 : i32
    %mul3A_19 = arith.muli %arg1, %mul3A_18 : i32
    "tpu.region"() ({
      %run_scoped3A = tpu.sem_alloc : memref<!tpu.dma_semaphore, #tpu.memory_space<semaphore_mem>>
      %dma_start3A = arith.constant 0 : i32
      %dma_start3A_28 = tpu.memref_slice %arg4[%mul3A_19, %dma_start3A] : memref<50176x16xf32, #tpu.memory_space<vmem_shared>> -> memref<3136x16xf32, #tpu.memory_space<vmem_shared>>
      %dma_start3A_29 = arith.constant 0 : i32
      %dma_start3A_30 = tpu.memref_slice %arg4[%mul3A_19, %dma_start3A_29] : memref<50176x16xf32, #tpu.memory_space<vmem_shared>> -> memref<3136x16xf32, #tpu.memory_space<vmem_shared>>
      tpu.enqueue_dma source(%dma_start3A_30 : memref<3136x16xf32, #tpu.memory_space<vmem_shared>>) target(%arg7 : memref<3136x16xf32, #tpu.memory_space<vmem>>) target_semaphore(%run_scoped3A : memref<!tpu.dma_semaphore, #tpu.memory_space<semaphore_mem>>)
      %dma_wait3A = arith.constant 0 : i32
      %dma_wait3A_31 = tpu.memref_slice %arg4[%mul3A_19, %dma_wait3A] : memref<50176x16xf32, #tpu.memory_space<vmem_shared>> -> memref<3136x16xf32, #tpu.memory_space<vmem_shared>>
      %dma_wait3A_32 = arith.constant 0 : i32
      %dma_wait3A_33 = tpu.memref_slice %arg4[%mul3A_19, %dma_wait3A_32] : memref<50176x16xf32, #tpu.memory_space<vmem_shared>> -> memref<3136x16xf32, #tpu.memory_space<vmem_shared>>
      tpu.wait_dma2 semaphore(%run_scoped3A : memref<!tpu.dma_semaphore, #tpu.memory_space<semaphore_mem>>) src(%dma_wait3A_33 : memref<3136x16xf32, #tpu.memory_space<vmem_shared>>) dst(%arg7 : memref<3136x16xf32, #tpu.memory_space<vmem>>)
      tpu.yield
    }) : () -> ()
    %broadcast_in_dim3A = arith.constant 0 : i32
    %broadcast_in_dim3A_20 = vector.broadcast %broadcast_in_dim3A : i32 to vector<16xi32>
    %iota3A = tpu.iota {dimensions = array<i32: 0>} : vector<16xi32>
    %scan3A_21 = arith.constant 0 : i32
    %scan3A_22 = arith.constant 196 : i32
    %scan3A_23 = arith.addi %scan3A_21, %scan3A_22 : i32
    %scan3A_24 = arith.constant 1 : i32
    scf.for %scan3A_28 = %scan3A_21 to %scan3A_23 step %scan3A_24  : i32 {
      %mul3A_29 = arith.constant 16 : i32
      %mul3A_30 = arith.muli %scan3A_28, %mul3A_29 : i32
      %add3A_31 = arith.constant 0 : i32
      %add3A_32 = arith.addi %add3A_31, %mul3A_30 : i32
      %add3A_33 = vector.broadcast %add3A_32 : i32 to vector<16xi32>
      %add3A_34 = arith.addi %iota3A, %add3A_33 : vector<16xi32>
      %gather3A = tpu.vector_load_idx %arg7[%add3A_34, %broadcast_in_dim3A_20] : memref<3136x16xf32, #tpu.memory_space<vmem>>[vector<16xi32>, vector<16xi32>], vector<16xf32>,
      %swap3A = arith.index_cast %add3A_32 : i32 to index
      %swap3A_35 = tpu.vector_load %arg8[%swap3A] {strides = array<i32>} : memref<3136xf32, #tpu.memory_space<vmem>>, vector<16xf32>,
      tpu.vector_store %arg8[%swap3A], %gather3A {strides = array<i32>} : memref<3136xf32, #tpu.memory_space<vmem>>, vector<16xf32>,
    }
    %scan3A_25 = arith.constant 196 : i32
    %mul3A_26 = arith.constant 3136 : i32
    %mul3A_27 = arith.muli %arg1, %mul3A_26 : i32
    "tpu.region"() ({
      %run_scoped3A = tpu.sem_alloc : memref<!tpu.dma_semaphore, #tpu.memory_space<semaphore_mem>>
      %dma_start3A = tpu.memref_slice %arg3[%arg0, %mul3A_27] : memref<2x50176xf32, #tpu.memory_space<hbm>> -> memref<1x3136xf32, #tpu.memory_space<hbm>>
      %dma_start3A_28 = tpu.memref_squeeze %dma_start3A : memref<1x3136xf32, #tpu.memory_space<hbm>> -> memref<3136xf32, #tpu.memory_space<hbm>>
      %dma_start3A_29 = tpu.memref_slice %arg3[%arg0, %mul3A_27] : memref<2x50176xf32, #tpu.memory_space<hbm>> -> memref<1x3136xf32, #tpu.memory_space<hbm>>
      %dma_start3A_30 = tpu.memref_squeeze %dma_start3A_29 : memref<1x3136xf32, #tpu.memory_space<hbm>> -> memref<3136xf32, #tpu.memory_space<hbm>>
      tpu.enqueue_dma source(%arg8 : memref<3136xf32, #tpu.memory_space<vmem>>) target(%dma_start3A_30 : memref<3136xf32, #tpu.memory_space<hbm>>) target_semaphore(%run_scoped3A : memref<!tpu.dma_semaphore, #tpu.memory_space<semaphore_mem>>)
      %dma_wait3A = tpu.memref_slice %arg3[%arg0, %mul3A_27] : memref<2x50176xf32, #tpu.memory_space<hbm>> -> memref<1x3136xf32, #tpu.memory_space<hbm>>
      %dma_wait3A_31 = tpu.memref_squeeze %dma_wait3A : memref<1x3136xf32, #tpu.memory_space<hbm>> -> memref<3136xf32, #tpu.memory_space<hbm>>
      %dma_wait3A_32 = tpu.memref_slice %arg3[%arg0, %mul3A_27] : memref<2x50176xf32, #tpu.memory_space<hbm>> -> memref<1x3136xf32, #tpu.memory_space<hbm>>
      %dma_wait3A_33 = tpu.memref_squeeze %dma_wait3A_32 : memref<1x3136xf32, #tpu.memory_space<hbm>> -> memref<3136xf32, #tpu.memory_space<hbm>>
      tpu.wait_dma2 semaphore(%run_scoped3A : memref<!tpu.dma_semaphore, #tpu.memory_space<semaphore_mem>>) src(%arg8 : memref<3136xf32, #tpu.memory_space<vmem>>) dst(%dma_wait3A_33 : memref<3136xf32, #tpu.memory_space<hbm>>)
      tpu.yield
    }) : () -> ()
    return
  }
}

module attributes {stable_mosaic.version = 14 : i64} {
  func.func @_stats_body(%arg0: i32, %arg1: memref<5000x512xf32, #tpu.memory_space<vmem>>, %arg2: memref<16x1x1x5000xf32, #tpu.memory_space<vmem>>, %arg3: memref<8x512xf32, #tpu.memory_space<vmem>>, %arg4: memref<8x16xf32, #tpu.memory_space<vmem>>) attributes {dimension_semantics = [#tpu.dimension_semantics<arbitrary>], iteration_bounds = array<i64: 10>, scalar_prefetch = 0 : i64, scratch_operands = 0 : i64, tpu.core_type = #tpu.core_type<tc>, window_params = [{transform_indices = @transform_0, window_bounds = array<i64: 5000, 512>}, {transform_indices = @transform_1, window_bounds = array<i64: 16, 1, 1, 5000>}, {pipeline_mode = #tpu.pipeline_mode<synchronous>, transform_indices = @transform_2, window_bounds = array<i64: 8, 512>}, {pipeline_mode = #tpu.pipeline_mode<synchronous>, transform_indices = @transform_3, window_bounds = array<i64: 8, 16>}]} {
    %eq3A = arith.constant 0 : i32
    %eq3A_0 = arith.cmpi eq, %arg0, %eq3A : i32
    %convert_element_type3A = arith.extui %eq3A_0 : i1 to i32
    %cond3A = arith.constant 0 : i32
    %cond3A_1 = arith.cmpi ne, %convert_element_type3A, %cond3A : i32
    scf.if %cond3A_1 {
      %broadcast_in_dim3A = arith.constant 0.000000e+00 : f32
      %broadcast_in_dim3A_56 = vector.broadcast %broadcast_in_dim3A : f32 to vector<8x512xf32>
      %swap3A_57 = arith.constant 0 : index
      %swap3A_58 = arith.constant 0 : index
      %swap3A_59 = vector.load %arg3[%swap3A_57, %swap3A_58] : memref<8x512xf32, #tpu.memory_space<vmem>>, vector<8x512xf32>
      tpu.vector_store %arg3[%swap3A_57, %swap3A_58], %broadcast_in_dim3A_56 {strides = array<i32>} : memref<8x512xf32, #tpu.memory_space<vmem>>, vector<8x512xf32>,
      %broadcast_in_dim3A_60 = arith.constant 0.000000e+00 : f32
      %broadcast_in_dim3A_61 = vector.broadcast %broadcast_in_dim3A_60 : f32 to vector<8x16xf32>
      %swap3A_62 = arith.constant 0 : index
      %swap3A_63 = arith.constant 0 : index
      %swap3A_64 = vector.load %arg4[%swap3A_62, %swap3A_63] : memref<8x16xf32, #tpu.memory_space<vmem>>, vector<8x16xf32>
      tpu.vector_store %arg4[%swap3A_62, %swap3A_63], %broadcast_in_dim3A_61 {strides = array<i32>} : memref<8x16xf32, #tpu.memory_space<vmem>>, vector<8x16xf32>,
    } else {
    }
    %get3A = arith.constant 0 : index
    %get3A_2 = arith.constant 0 : index
    %get3A_3 = vector.load %arg1[%get3A, %get3A_2] : memref<5000x512xf32, #tpu.memory_space<vmem>>, vector<5000x512xf32>
    %get3A_4 = arith.constant 0 : index
    %get3A_5 = arith.constant 0 : index
    %get3A_6 = arith.constant 0 : index
    %get3A_7 = arith.constant 0 : index
    %get3A_8 = vector.load %arg2[%get3A_4, %get3A_5, %get3A_6, %get3A_7] : memref<16x1x1x5000xf32, #tpu.memory_space<vmem>>, vector<16x1x1x5000xf32>
    %get3A_9 = vector.shape_cast %get3A_8 : vector<16x1x1x5000xf32> to vector<16x5000xf32>
    %get3A_10 = arith.constant 0 : index
    %get3A_11 = arith.constant 0 : index
    %get3A_12 = vector.load %arg3[%get3A_10, %get3A_11] : memref<8x512xf32, #tpu.memory_space<vmem>>, vector<1x512xf32>
    %get3A_13 = vector.shape_cast %get3A_12 : vector<1x512xf32> to vector<512xf32>
    %reduce_sum3A = arith.constant dense<0.000000e+00> : vector<512xf32>
    %reduce_sum3A_14 = vector.multi_reduction <add>, %get3A_3, %reduce_sum3A [0] : vector<5000x512xf32> to vector<512xf32>
    %add3A = arith.addf %get3A_13, %reduce_sum3A_14 : vector<512xf32>
    %swap3A = arith.constant 0 : index
    %swap3A_15 = arith.constant 0 : index
    %swap3A_16 = vector.load %arg3[%swap3A, %swap3A_15] : memref<8x512xf32, #tpu.memory_space<vmem>>, vector<1x512xf32>
    %swap3A_17 = vector.shape_cast %swap3A_16 : vector<1x512xf32> to vector<512xf32>
    %swap3A_18 = vector.shape_cast %add3A : vector<512xf32> to vector<1x512xf32>
    tpu.vector_store %arg3[%swap3A, %swap3A_15], %swap3A_18 {strides = array<i32>} : memref<8x512xf32, #tpu.memory_space<vmem>>, vector<1x512xf32>,
    %get3A_19 = arith.constant 1 : index
    %get3A_20 = arith.constant 0 : index
    %get3A_21 = vector.load %arg3[%get3A_19, %get3A_20] : memref<8x512xf32, #tpu.memory_space<vmem>>, vector<1x512xf32>
    %get3A_22 = vector.shape_cast %get3A_21 : vector<1x512xf32> to vector<512xf32>
    %mul3A = arith.mulf %get3A_3, %get3A_3 : vector<5000x512xf32>
    %reduce_sum3A_23 = arith.constant dense<0.000000e+00> : vector<512xf32>
    %reduce_sum3A_24 = vector.multi_reduction <add>, %mul3A, %reduce_sum3A_23 [0] : vector<5000x512xf32> to vector<512xf32>
    %add3A_25 = arith.addf %get3A_22, %reduce_sum3A_24 : vector<512xf32>
    %swap3A_26 = arith.constant 1 : index
    %swap3A_27 = arith.constant 0 : index
    %swap3A_28 = vector.load %arg3[%swap3A_26, %swap3A_27] : memref<8x512xf32, #tpu.memory_space<vmem>>, vector<1x512xf32>
    %swap3A_29 = vector.shape_cast %swap3A_28 : vector<1x512xf32> to vector<512xf32>
    %swap3A_30 = vector.shape_cast %add3A_25 : vector<512xf32> to vector<1x512xf32>
    tpu.vector_store %arg3[%swap3A_26, %swap3A_27], %swap3A_30 {strides = array<i32>} : memref<8x512xf32, #tpu.memory_space<vmem>>, vector<1x512xf32>,
    %get3A_31 = arith.constant 0 : index
    %get3A_32 = arith.constant 0 : index
    %get3A_33 = vector.load %arg4[%get3A_31, %get3A_32] : memref<8x16xf32, #tpu.memory_space<vmem>>, vector<1x16xf32>
    %get3A_34 = vector.shape_cast %get3A_33 : vector<1x16xf32> to vector<16xf32>
    %reduce_sum3A_35 = arith.constant dense<0.000000e+00> : vector<16xf32>
    %reduce_sum3A_36 = vector.multi_reduction <add>, %get3A_9, %reduce_sum3A_35 [1] : vector<16x5000xf32> to vector<16xf32>
    %add3A_37 = arith.addf %get3A_34, %reduce_sum3A_36 : vector<16xf32>
    %swap3A_38 = arith.constant 0 : index
    %swap3A_39 = arith.constant 0 : index
    %swap3A_40 = vector.load %arg4[%swap3A_38, %swap3A_39] : memref<8x16xf32, #tpu.memory_space<vmem>>, vector<1x16xf32>
    %swap3A_41 = vector.shape_cast %swap3A_40 : vector<1x16xf32> to vector<16xf32>
    %swap3A_42 = vector.shape_cast %add3A_37 : vector<16xf32> to vector<1x16xf32>
    tpu.vector_store %arg4[%swap3A_38, %swap3A_39], %swap3A_42 {strides = array<i32>} : memref<8x16xf32, #tpu.memory_space<vmem>>, vector<1x16xf32>,
    %get3A_43 = arith.constant 1 : index
    %get3A_44 = arith.constant 0 : index
    %get3A_45 = vector.load %arg4[%get3A_43, %get3A_44] : memref<8x16xf32, #tpu.memory_space<vmem>>, vector<1x16xf32>
    %get3A_46 = vector.shape_cast %get3A_45 : vector<1x16xf32> to vector<16xf32>
    %mul3A_47 = arith.mulf %get3A_9, %get3A_9 : vector<16x5000xf32>
    %reduce_sum3A_48 = arith.constant dense<0.000000e+00> : vector<16xf32>
    %reduce_sum3A_49 = vector.multi_reduction <add>, %mul3A_47, %reduce_sum3A_48 [1] : vector<16x5000xf32> to vector<16xf32>
    %add3A_50 = arith.addf %get3A_46, %reduce_sum3A_49 : vector<16xf32>
    %swap3A_51 = arith.constant 1 : index
    %swap3A_52 = arith.constant 0 : index
    %swap3A_53 = vector.load %arg4[%swap3A_51, %swap3A_52] : memref<8x16xf32, #tpu.memory_space<vmem>>, vector<1x16xf32>
    %swap3A_54 = vector.shape_cast %swap3A_53 : vector<1x16xf32> to vector<16xf32>
    %swap3A_55 = vector.shape_cast %add3A_50 : vector<16xf32> to vector<1x16xf32>
    tpu.vector_store %arg4[%swap3A_51, %swap3A_52], %swap3A_55 {strides = array<i32>} : memref<8x16xf32, #tpu.memory_space<vmem>>, vector<1x16xf32>,
    return
  }
  func.func @transform_0(%arg0: i32) -> (i32, i32) {
    %c0_i32 = arith.constant 0 : i32
    %c0_i32_0 = arith.constant 0 : i32
    return %arg0, %c0_i32 : i32, i32
  }
  func.func @transform_1(%arg0: i32) -> (i32, i32, i32, i32) {
    %c0_i32 = arith.constant 0 : i32
    %c0_i32_0 = arith.constant 0 : i32
    %c0_i32_1 = arith.constant 0 : i32
    %c0_i32_2 = arith.constant 0 : i32
    return %c0_i32, %arg0, %c0_i32_0, %c0_i32_1 : i32, i32, i32, i32
  }
  func.func @transform_2(%arg0: i32) -> (i32, i32) {
    %c0_i32 = arith.constant 0 : i32
    %c0_i32_0 = arith.constant 0 : i32
    %c0_i32_1 = arith.constant 0 : i32
    return %c0_i32, %c0_i32_0 : i32, i32
  }
  func.func @transform_3(%arg0: i32) -> (i32, i32) {
    %c0_i32 = arith.constant 0 : i32
    %c0_i32_0 = arith.constant 0 : i32
    %c0_i32_1 = arith.constant 0 : i32
    return %c0_i32, %c0_i32_0 : i32, i32
  }
}

module attributes {stable_mosaic.version = 14 : i64} {
  func.func @_embed_body(%arg0: i32, %arg1: memref<5000x512xf32, #tpu.memory_space<vmem>>, %arg2: memref<16x1x1x5000xf32, #tpu.memory_space<vmem>>, %arg3: memref<512x32xf32, #tpu.memory_space<vmem>>, %arg4: memref<1x32xf32, #tpu.memory_space<vmem>>, %arg5: memref<16x32xf32, #tpu.memory_space<vmem>>, %arg6: memref<1x32xf32, #tpu.memory_space<vmem>>, %arg7: memref<5000x64xf32, #tpu.memory_space<vmem>>, %arg8: memref<8x64xf32, #tpu.memory_space<vmem>>) attributes {dimension_semantics = [#tpu.dimension_semantics<arbitrary>], iteration_bounds = array<i64: 10>, scalar_prefetch = 0 : i64, scratch_operands = 0 : i64, tpu.core_type = #tpu.core_type<tc>, window_params = [{transform_indices = @transform_0, window_bounds = array<i64: 5000, 512>}, {transform_indices = @transform_1, window_bounds = array<i64: 16, 1, 1, 5000>}, {pipeline_mode = #tpu.pipeline_mode<synchronous>, transform_indices = @transform_2, window_bounds = array<i64: 512, 32>}, {pipeline_mode = #tpu.pipeline_mode<synchronous>, transform_indices = @transform_3, window_bounds = array<i64: 1, 32>}, {pipeline_mode = #tpu.pipeline_mode<synchronous>, transform_indices = @transform_4, window_bounds = array<i64: 16, 32>}, {pipeline_mode = #tpu.pipeline_mode<synchronous>, transform_indices = @transform_5, window_bounds = array<i64: 1, 32>}, {transform_indices = @transform_6, window_bounds = array<i64: 5000, 64>}, {pipeline_mode = #tpu.pipeline_mode<synchronous>, transform_indices = @transform_7, window_bounds = array<i64: 8, 64>}]} {
    %eq3A = arith.constant 0 : i32
    %eq3A_0 = arith.cmpi eq, %arg0, %eq3A : i32
    %convert_element_type3A = arith.extui %eq3A_0 : i1 to i32
    %cond3A = arith.constant 0 : i32
    %cond3A_1 = arith.cmpi ne, %convert_element_type3A, %cond3A : i32
    scf.if %cond3A_1 {
      %broadcast_in_dim3A_61 = arith.constant 0.000000e+00 : f32
      %broadcast_in_dim3A_62 = vector.broadcast %broadcast_in_dim3A_61 : f32 to vector<8x64xf32>
      %swap3A_63 = arith.constant 0 : index
      %swap3A_64 = arith.constant 0 : index
      %swap3A_65 = vector.load %arg8[%swap3A_63, %swap3A_64] : memref<8x64xf32, #tpu.memory_space<vmem>>, vector<8x64xf32>
      tpu.vector_store %arg8[%swap3A_63, %swap3A_64], %broadcast_in_dim3A_62 {strides = array<i32>} : memref<8x64xf32, #tpu.memory_space<vmem>>, vector<8x64xf32>,
    } else {
    }
    %get3A = arith.constant 0 : index
    %get3A_2 = arith.constant 0 : index
    %get3A_3 = vector.load %arg1[%get3A, %get3A_2] : memref<5000x512xf32, #tpu.memory_space<vmem>>, vector<5000x512xf32>
    %get3A_4 = arith.constant 0 : index
    %get3A_5 = arith.constant 0 : index
    %get3A_6 = vector.load %arg3[%get3A_4, %get3A_5] : memref<512x32xf32, #tpu.memory_space<vmem>>, vector<512x32xf32>
    %dot_general3A = arith.constant dense<0.000000e+00> : vector<5000x32xf32>
    %dot_general3A_7 = tpu.matmul %get3A_3, %get3A_6, %dot_general3A {dimension_numbers = #tpu.dot_dimension_numbers<[1], [0], [0], [1], [0, 0, 1, 1], [], []>, transpose_lhs_hint = false} : vector<5000x512xf32>, vector<512x32xf32>, vector<5000x32xf32> -> vector<5000x32xf32>
    %get3A_8 = arith.constant 0 : index
    %get3A_9 = arith.constant 0 : index
    %get3A_10 = vector.load %arg4[%get3A_8, %get3A_9] : memref<1x32xf32, #tpu.memory_space<vmem>>, vector<1x32xf32>
    %get3A_11 = vector.shape_cast %get3A_10 : vector<1x32xf32> to vector<32xf32>
    %broadcast_in_dim3A = vector.shape_cast %get3A_11 : vector<32xf32> to vector<1x32xf32>
    %add3A = vector.broadcast %broadcast_in_dim3A : vector<1x32xf32> to vector<5000x32xf32>
    %add3A_12 = arith.addf %dot_general3A_7, %add3A : vector<5000x32xf32>
    %max3A = arith.constant 0.000000e+00 : f32
    %max3A_13 = vector.broadcast %max3A : f32 to vector<5000x32xf32>
    %max3A_14 = arith.maximumf %add3A_12, %max3A_13 : vector<5000x32xf32>
    %get3A_15 = arith.constant 0 : index
    %get3A_16 = arith.constant 0 : index
    %get3A_17 = arith.constant 0 : index
    %get3A_18 = arith.constant 0 : index
    %get3A_19 = vector.load %arg2[%get3A_15, %get3A_16, %get3A_17, %get3A_18] : memref<16x1x1x5000xf32, #tpu.memory_space<vmem>>, vector<16x1x1x5000xf32>
    %get3A_20 = vector.shape_cast %get3A_19 : vector<16x1x1x5000xf32> to vector<16x5000xf32>
    %get3A_21 = arith.constant 0 : index
    %get3A_22 = arith.constant 0 : index
    %get3A_23 = vector.load %arg5[%get3A_21, %get3A_22] : memref<16x32xf32, #tpu.memory_space<vmem>>, vector<16x32xf32>
    %dot_general3A_24 = arith.constant dense<0.000000e+00> : vector<5000x32xf32>
    %dot_general3A_25 = tpu.matmul %get3A_20, %get3A_23, %dot_general3A_24 {dimension_numbers = #tpu.dot_dimension_numbers<[0], [0], [1], [1], [0, 1, 1, 1], [], []>, transpose_lhs_hint = false} : vector<16x5000xf32>, vector<16x32xf32>, vector<5000x32xf32> -> vector<5000x32xf32>
    %get3A_26 = arith.constant 0 : index
    %get3A_27 = arith.constant 0 : index
    %get3A_28 = vector.load %arg6[%get3A_26, %get3A_27] : memref<1x32xf32, #tpu.memory_space<vmem>>, vector<1x32xf32>
    %get3A_29 = vector.shape_cast %get3A_28 : vector<1x32xf32> to vector<32xf32>
    %broadcast_in_dim3A_30 = vector.shape_cast %get3A_29 : vector<32xf32> to vector<1x32xf32>
    %add3A_31 = vector.broadcast %broadcast_in_dim3A_30 : vector<1x32xf32> to vector<5000x32xf32>
    %add3A_32 = arith.addf %dot_general3A_25, %add3A_31 : vector<5000x32xf32>
    %max3A_33 = arith.constant 0.000000e+00 : f32
    %max3A_34 = vector.broadcast %max3A_33 : f32 to vector<5000x32xf32>
    %max3A_35 = arith.maximumf %add3A_32, %max3A_34 : vector<5000x32xf32>
    %concatenate3A = tpu.concatenate %max3A_14, %max3A_35 in 1 : vector<5000x32xf32>, vector<5000x32xf32> -> vector<5000x64xf32>
    %swap3A = arith.constant 0 : index
    %swap3A_36 = arith.constant 0 : index
    %swap3A_37 = vector.load %arg7[%swap3A, %swap3A_36] : memref<5000x64xf32, #tpu.memory_space<vmem>>, vector<5000x64xf32>
    tpu.vector_store %arg7[%swap3A, %swap3A_36], %concatenate3A {strides = array<i32>} : memref<5000x64xf32, #tpu.memory_space<vmem>>, vector<5000x64xf32>,
    %get3A_38 = arith.constant 0 : index
    %get3A_39 = arith.constant 0 : index
    %get3A_40 = vector.load %arg8[%get3A_38, %get3A_39] : memref<8x64xf32, #tpu.memory_space<vmem>>, vector<1x64xf32>
    %get3A_41 = vector.shape_cast %get3A_40 : vector<1x64xf32> to vector<64xf32>
    %reduce_sum3A = arith.constant dense<0.000000e+00> : vector<64xf32>
    %reduce_sum3A_42 = vector.multi_reduction <add>, %concatenate3A, %reduce_sum3A [0] : vector<5000x64xf32> to vector<64xf32>
    %add3A_43 = arith.addf %get3A_41, %reduce_sum3A_42 : vector<64xf32>
    %swap3A_44 = arith.constant 0 : index
    %swap3A_45 = arith.constant 0 : index
    %swap3A_46 = vector.load %arg8[%swap3A_44, %swap3A_45] : memref<8x64xf32, #tpu.memory_space<vmem>>, vector<1x64xf32>
    %swap3A_47 = vector.shape_cast %swap3A_46 : vector<1x64xf32> to vector<64xf32>
    %swap3A_48 = vector.shape_cast %add3A_43 : vector<64xf32> to vector<1x64xf32>
    tpu.vector_store %arg8[%swap3A_44, %swap3A_45], %swap3A_48 {strides = array<i32>} : memref<8x64xf32, #tpu.memory_space<vmem>>, vector<1x64xf32>,
    %get3A_49 = arith.constant 1 : index
    %get3A_50 = arith.constant 0 : index
    %get3A_51 = vector.load %arg8[%get3A_49, %get3A_50] : memref<8x64xf32, #tpu.memory_space<vmem>>, vector<1x64xf32>
    %get3A_52 = vector.shape_cast %get3A_51 : vector<1x64xf32> to vector<64xf32>
    %mul3A = arith.mulf %concatenate3A, %concatenate3A : vector<5000x64xf32>
    %reduce_sum3A_53 = arith.constant dense<0.000000e+00> : vector<64xf32>
    %reduce_sum3A_54 = vector.multi_reduction <add>, %mul3A, %reduce_sum3A_53 [0] : vector<5000x64xf32> to vector<64xf32>
    %add3A_55 = arith.addf %get3A_52, %reduce_sum3A_54 : vector<64xf32>
    %swap3A_56 = arith.constant 1 : index
    %swap3A_57 = arith.constant 0 : index
    %swap3A_58 = vector.load %arg8[%swap3A_56, %swap3A_57] : memref<8x64xf32, #tpu.memory_space<vmem>>, vector<1x64xf32>
    %swap3A_59 = vector.shape_cast %swap3A_58 : vector<1x64xf32> to vector<64xf32>
    %swap3A_60 = vector.shape_cast %add3A_55 : vector<64xf32> to vector<1x64xf32>
    tpu.vector_store %arg8[%swap3A_56, %swap3A_57], %swap3A_60 {strides = array<i32>} : memref<8x64xf32, #tpu.memory_space<vmem>>, vector<1x64xf32>,
    return
  }
  func.func @transform_0(%arg0: i32) -> (i32, i32) {
    %c0_i32 = arith.constant 0 : i32
    %c0_i32_0 = arith.constant 0 : i32
    return %arg0, %c0_i32 : i32, i32
  }
  func.func @transform_1(%arg0: i32) -> (i32, i32, i32, i32) {
    %c0_i32 = arith.constant 0 : i32
    %c0_i32_0 = arith.constant 0 : i32
    %c0_i32_1 = arith.constant 0 : i32
    %c0_i32_2 = arith.constant 0 : i32
    return %c0_i32, %arg0, %c0_i32_0, %c0_i32_1 : i32, i32, i32, i32
  }
  func.func @transform_2(%arg0: i32) -> (i32, i32) {
    %c0_i32 = arith.constant 0 : i32
    %c0_i32_0 = arith.constant 0 : i32
    %c0_i32_1 = arith.constant 0 : i32
    return %c0_i32, %c0_i32_0 : i32, i32
  }
  func.func @transform_3(%arg0: i32) -> (i32, i32) {
    %c0_i32 = arith.constant 0 : i32
    %c0_i32_0 = arith.constant 0 : i32
    %c0_i32_1 = arith.constant 0 : i32
    return %c0_i32, %c0_i32_0 : i32, i32
  }
  func.func @transform_4(%arg0: i32) -> (i32, i32) {
    %c0_i32 = arith.constant 0 : i32
    %c0_i32_0 = arith.constant 0 : i32
    %c0_i32_1 = arith.constant 0 : i32
    return %c0_i32, %c0_i32_0 : i32, i32
  }
  func.func @transform_5(%arg0: i32) -> (i32, i32) {
    %c0_i32 = arith.constant 0 : i32
    %c0_i32_0 = arith.constant 0 : i32
    %c0_i32_1 = arith.constant 0 : i32
    return %c0_i32, %c0_i32_0 : i32, i32
  }
  func.func @transform_6(%arg0: i32) -> (i32, i32) {
    %c0_i32 = arith.constant 0 : i32
    %c0_i32_0 = arith.constant 0 : i32
    return %arg0, %c0_i32 : i32, i32
  }
  func.func @transform_7(%arg0: i32) -> (i32, i32) {
    %c0_i32 = arith.constant 0 : i32
    %c0_i32_0 = arith.constant 0 : i32
    %c0_i32_1 = arith.constant 0 : i32
    return %c0_i32, %c0_i32_0 : i32, i32
  }
}

module attributes {stable_mosaic.version = 14 : i64} {
  func.func @_project_body(%arg0: i32, %arg1: memref<5000x64xf32, #tpu.memory_space<vmem>>, %arg2: memref<1x64xf32, #tpu.memory_space<vmem>>, %arg3: memref<1x64xf32, #tpu.memory_space<vmem>>, %arg4: memref<1x1x5000xf32, #tpu.memory_space<vmem>>, %arg5: memref<5000x128xf32, #tpu.memory_space<vmem>>) attributes {dimension_semantics = [#tpu.dimension_semantics<arbitrary>], iteration_bounds = array<i64: 10>, scalar_prefetch = 0 : i64, scratch_operands = 0 : i64, tpu.core_type = #tpu.core_type<tc>, window_params = [{transform_indices = @transform_0, window_bounds = array<i64: 5000, 64>}, {pipeline_mode = #tpu.pipeline_mode<synchronous>, transform_indices = @transform_1, window_bounds = array<i64: 1, 64>}, {pipeline_mode = #tpu.pipeline_mode<synchronous>, transform_indices = @transform_2, window_bounds = array<i64: 1, 64>}, {transform_indices = @transform_3, window_bounds = array<i64: 1, 1, 5000>}, {transform_indices = @transform_4, window_bounds = array<i64: 5000, 128>}]} {
    %get3A = arith.constant 0 : index
    %get3A_0 = arith.constant 0 : index
    %get3A_1 = vector.load %arg1[%get3A, %get3A_0] : memref<5000x64xf32, #tpu.memory_space<vmem>>, vector<5000x64xf32>
    %get3A_2 = arith.constant 0 : index
    %get3A_3 = arith.constant 0 : index
    %get3A_4 = vector.load %arg2[%get3A_2, %get3A_3] : memref<1x64xf32, #tpu.memory_space<vmem>>, vector<1x64xf32>
    %get3A_5 = vector.shape_cast %get3A_4 : vector<1x64xf32> to vector<64xf32>
    %broadcast_in_dim3A = vector.shape_cast %get3A_5 : vector<64xf32> to vector<1x64xf32>
    %mul3A = vector.broadcast %broadcast_in_dim3A : vector<1x64xf32> to vector<5000x64xf32>
    %mul3A_6 = arith.mulf %get3A_1, %mul3A : vector<5000x64xf32>
    %get3A_7 = arith.constant 0 : index
    %get3A_8 = arith.constant 0 : index
    %get3A_9 = vector.load %arg3[%get3A_7, %get3A_8] : memref<1x64xf32, #tpu.memory_space<vmem>>, vector<1x64xf32>
    %get3A_10 = vector.shape_cast %get3A_9 : vector<1x64xf32> to vector<64xf32>
    %broadcast_in_dim3A_11 = vector.shape_cast %get3A_10 : vector<64xf32> to vector<1x64xf32>
    %add3A = vector.broadcast %broadcast_in_dim3A_11 : vector<1x64xf32> to vector<5000x64xf32>
    %add3A_12 = arith.addf %mul3A_6, %add3A : vector<5000x64xf32>
    %get3A_13 = arith.constant 0 : index
    %get3A_14 = arith.constant 0 : index
    %get3A_15 = arith.constant 0 : index
    %get3A_16 = vector.load %arg4[%get3A_13, %get3A_14, %get3A_15] : memref<1x1x5000xf32, #tpu.memory_space<vmem>>, vector<1x1x5000xf32>
    %get3A_17 = vector.shape_cast %get3A_16 : vector<1x1x5000xf32> to vector<5000xf32>
    %reshape3A = vector.shape_cast %get3A_17 : vector<5000xf32> to vector<5000x1xf32>
    %add3A_18 = arith.constant 1.000000e+00 : f32
    %add3A_19 = vector.broadcast %add3A_18 : f32 to vector<5000x1xf32>
    %add3A_20 = arith.addf %add3A_19, %reshape3A : vector<5000x1xf32>
    %rsqrt3A = math.rsqrt %add3A_20 : vector<5000x1xf32>
    %mul3A_21 = vector.broadcast %rsqrt3A : vector<5000x1xf32> to vector<5000x64xf32>
    %mul3A_22 = arith.mulf %add3A_12, %mul3A_21 : vector<5000x64xf32>
    %broadcast_in_dim3A_23 = arith.constant 0.000000e+00 : f32
    %broadcast_in_dim3A_24 = vector.broadcast %broadcast_in_dim3A_23 : f32 to vector<5000x64xf32>
    %concatenate3A = tpu.concatenate %mul3A_22, %broadcast_in_dim3A_24 in 1 : vector<5000x64xf32>, vector<5000x64xf32> -> vector<5000x128xf32>
    %swap3A = arith.constant 0 : index
    %swap3A_25 = arith.constant 0 : index
    %swap3A_26 = vector.load %arg5[%swap3A, %swap3A_25] : memref<5000x128xf32, #tpu.memory_space<vmem>>, vector<5000x128xf32>
    tpu.vector_store %arg5[%swap3A, %swap3A_25], %concatenate3A {strides = array<i32>} : memref<5000x128xf32, #tpu.memory_space<vmem>>, vector<5000x128xf32>,
    return
  }
  func.func @transform_0(%arg0: i32) -> (i32, i32) {
    %c0_i32 = arith.constant 0 : i32
    %c0_i32_0 = arith.constant 0 : i32
    return %arg0, %c0_i32 : i32, i32
  }
  func.func @transform_1(%arg0: i32) -> (i32, i32) {
    %c0_i32 = arith.constant 0 : i32
    %c0_i32_0 = arith.constant 0 : i32
    %c0_i32_1 = arith.constant 0 : i32
    return %c0_i32, %c0_i32_0 : i32, i32
  }
  func.func @transform_2(%arg0: i32) -> (i32, i32) {
    %c0_i32 = arith.constant 0 : i32
    %c0_i32_0 = arith.constant 0 : i32
    %c0_i32_1 = arith.constant 0 : i32
    return %c0_i32, %c0_i32_0 : i32, i32
  }
  func.func @transform_3(%arg0: i32) -> (i32, i32, i32) {
    %c0_i32 = arith.constant 0 : i32
    %c0_i32_0 = arith.constant 0 : i32
    %c0_i32_1 = arith.constant 0 : i32
    return %arg0, %c0_i32, %c0_i32_0 : i32, i32, i32
  }
  func.func @transform_4(%arg0: i32) -> (i32, i32) {
    %c0_i32 = arith.constant 0 : i32
    %c0_i32_0 = arith.constant 0 : i32
    return %arg0, %c0_i32 : i32, i32
  }
}

module attributes {stable_mosaic.version = 14 : i64} {
  func.func @_final_body(%arg0: i32, %arg1: memref<5000x128xf32, #tpu.memory_space<vmem>>, %arg2: memref<5000x128xf32, #tpu.memory_space<vmem>>, %arg3: memref<1x1x5000xf32, #tpu.memory_space<vmem>>, %arg4: memref<64x64xf32, #tpu.memory_space<vmem>>, %arg5: memref<1x64xf32, #tpu.memory_space<vmem>>, %arg6: memref<64x40xf32, #tpu.memory_space<vmem>>, %arg7: memref<1x40xf32, #tpu.memory_space<vmem>>, %arg8: memref<5000x40xf32, #tpu.memory_space<vmem>>) attributes {dimension_semantics = [#tpu.dimension_semantics<arbitrary>], iteration_bounds = array<i64: 10>, scalar_prefetch = 0 : i64, scratch_operands = 0 : i64, tpu.core_type = #tpu.core_type<tc>, window_params = [{transform_indices = @transform_0, window_bounds = array<i64: 5000, 128>}, {transform_indices = @transform_1, window_bounds = array<i64: 5000, 128>}, {transform_indices = @transform_2, window_bounds = array<i64: 1, 1, 5000>}, {pipeline_mode = #tpu.pipeline_mode<synchronous>, transform_indices = @transform_3, window_bounds = array<i64: 64, 64>}, {pipeline_mode = #tpu.pipeline_mode<synchronous>, transform_indices = @transform_4, window_bounds = array<i64: 1, 64>}, {pipeline_mode = #tpu.pipeline_mode<synchronous>, transform_indices = @transform_5, window_bounds = array<i64: 64, 40>}, {pipeline_mode = #tpu.pipeline_mode<synchronous>, transform_indices = @transform_6, window_bounds = array<i64: 1, 40>}, {transform_indices = @transform_7, window_bounds = array<i64: 5000, 40>}]} {
    %get3A = arith.constant 0 : index
    %get3A_0 = arith.constant 0 : index
    %get3A_1 = arith.constant 0 : index
    %get3A_2 = vector.load %arg3[%get3A, %get3A_0, %get3A_1] : memref<1x1x5000xf32, #tpu.memory_space<vmem>>, vector<1x1x5000xf32>
    %get3A_3 = vector.shape_cast %get3A_2 : vector<1x1x5000xf32> to vector<5000xf32>
    %reshape3A = vector.shape_cast %get3A_3 : vector<5000xf32> to vector<5000x1xf32>
    %add3A = arith.constant 1.000000e+00 : f32
    %add3A_4 = vector.broadcast %add3A : f32 to vector<5000x1xf32>
    %add3A_5 = arith.addf %add3A_4, %reshape3A : vector<5000x1xf32>
    %rsqrt3A = math.rsqrt %add3A_5 : vector<5000x1xf32>
    %get3A_6 = arith.constant 0 : index
    %get3A_7 = arith.constant 0 : index
    %get3A_8 = vector.load %arg1[%get3A_6, %get3A_7] : memref<5000x128xf32, #tpu.memory_space<vmem>>, vector<5000x64xf32>
    %get3A_9 = arith.constant 0 : index
    %get3A_10 = arith.constant 0 : index
    %get3A_11 = vector.load %arg2[%get3A_9, %get3A_10] : memref<5000x128xf32, #tpu.memory_space<vmem>>, vector<5000x64xf32>
    %add3A_12 = arith.addf %get3A_8, %get3A_11 : vector<5000x64xf32>
    %mul3A = vector.broadcast %rsqrt3A : vector<5000x1xf32> to vector<5000x64xf32>
    %mul3A_13 = arith.mulf %mul3A, %add3A_12 : vector<5000x64xf32>
    %get3A_14 = arith.constant 0 : index
    %get3A_15 = arith.constant 0 : index
    %get3A_16 = vector.load %arg4[%get3A_14, %get3A_15] : memref<64x64xf32, #tpu.memory_space<vmem>>, vector<64x64xf32>
    %dot_general3A = arith.constant dense<0.000000e+00> : vector<5000x64xf32>
    %dot_general3A_17 = tpu.matmul %mul3A_13, %get3A_16, %dot_general3A {dimension_numbers = #tpu.dot_dimension_numbers<[1], [0], [0], [1], [0, 0, 1, 1], [], []>, transpose_lhs_hint = false} : vector<5000x64xf32>, vector<64x64xf32>, vector<5000x64xf32> -> vector<5000x64xf32>
    %get3A_18 = arith.constant 0 : index
    %get3A_19 = arith.constant 0 : index
    %get3A_20 = vector.load %arg5[%get3A_18, %get3A_19] : memref<1x64xf32, #tpu.memory_space<vmem>>, vector<1x64xf32>
    %get3A_21 = vector.shape_cast %get3A_20 : vector<1x64xf32> to vector<64xf32>
    %broadcast_in_dim3A = vector.shape_cast %get3A_21 : vector<64xf32> to vector<1x64xf32>
    %add3A_22 = vector.broadcast %broadcast_in_dim3A : vector<1x64xf32> to vector<5000x64xf32>
    %add3A_23 = arith.addf %dot_general3A_17, %add3A_22 : vector<5000x64xf32>
    %tanh3A = math.tanh %add3A_23 : vector<5000x64xf32>
    %get3A_24 = arith.constant 0 : index
    %get3A_25 = arith.constant 0 : index
    %get3A_26 = vector.load %arg6[%get3A_24, %get3A_25] : memref<64x40xf32, #tpu.memory_space<vmem>>, vector<64x40xf32>
    %dot_general3A_27 = arith.constant dense<0.000000e+00> : vector<5000x40xf32>
    %dot_general3A_28 = tpu.matmul %tanh3A, %get3A_26, %dot_general3A_27 {dimension_numbers = #tpu.dot_dimension_numbers<[1], [0], [0], [1], [0, 0, 1, 1], [], []>, transpose_lhs_hint = false} : vector<5000x64xf32>, vector<64x40xf32>, vector<5000x40xf32> -> vector<5000x40xf32>
    %get3A_29 = arith.constant 0 : index
    %get3A_30 = arith.constant 0 : index
    %get3A_31 = vector.load %arg7[%get3A_29, %get3A_30] : memref<1x40xf32, #tpu.memory_space<vmem>>, vector<1x40xf32>
    %get3A_32 = vector.shape_cast %get3A_31 : vector<1x40xf32> to vector<40xf32>
    %broadcast_in_dim3A_33 = vector.shape_cast %get3A_32 : vector<40xf32> to vector<1x40xf32>
    %add3A_34 = vector.broadcast %broadcast_in_dim3A_33 : vector<1x40xf32> to vector<5000x40xf32>
    %add3A_35 = arith.addf %dot_general3A_28, %add3A_34 : vector<5000x40xf32>
    %reduce_max3A = arith.constant dense<0xFF800000> : vector<5000xf32>
    %reduce_max3A_36 = vector.multi_reduction <maximumf>, %add3A_35, %reduce_max3A [1] : vector<5000x40xf32> to vector<5000xf32>
    %broadcast_in_dim3A_37 = vector.shape_cast %reduce_max3A_36 : vector<5000xf32> to vector<5000x1xf32>
    %sub3A = vector.broadcast %broadcast_in_dim3A_37 : vector<5000x1xf32> to vector<5000x40xf32>
    %sub3A_38 = arith.subf %add3A_35, %sub3A : vector<5000x40xf32>
    %exp3A = math.exp %sub3A_38 : vector<5000x40xf32>
    %reduce_sum3A = arith.constant dense<0.000000e+00> : vector<5000xf32>
    %reduce_sum3A_39 = vector.multi_reduction <add>, %exp3A, %reduce_sum3A [1] : vector<5000x40xf32> to vector<5000xf32>
    %broadcast_in_dim3A_40 = vector.shape_cast %reduce_sum3A_39 : vector<5000xf32> to vector<5000x1xf32>
    %log3A = math.log %broadcast_in_dim3A_40 : vector<5000x1xf32>
    %add3A_41 = arith.addf %broadcast_in_dim3A_37, %log3A : vector<5000x1xf32>
    %sub3A_42 = vector.broadcast %add3A_41 : vector<5000x1xf32> to vector<5000x40xf32>
    %sub3A_43 = arith.subf %add3A_35, %sub3A_42 : vector<5000x40xf32>
    %swap3A = arith.constant 0 : index
    %swap3A_44 = arith.constant 0 : index
    %swap3A_45 = vector.load %arg8[%swap3A, %swap3A_44] : memref<5000x40xf32, #tpu.memory_space<vmem>>, vector<5000x40xf32>
    tpu.vector_store %arg8[%swap3A, %swap3A_44], %sub3A_43 {strides = array<i32>} : memref<5000x40xf32, #tpu.memory_space<vmem>>, vector<5000x40xf32>,
    return
  }
  func.func @transform_0(%arg0: i32) -> (i32, i32) {
    %c0_i32 = arith.constant 0 : i32
    %c0_i32_0 = arith.constant 0 : i32
    return %arg0, %c0_i32 : i32, i32
  }
  func.func @transform_1(%arg0: i32) -> (i32, i32) {
    %c0_i32 = arith.constant 0 : i32
    %c0_i32_0 = arith.constant 0 : i32
    return %arg0, %c0_i32 : i32, i32
  }
  func.func @transform_2(%arg0: i32) -> (i32, i32, i32) {
    %c0_i32 = arith.constant 0 : i32
    %c0_i32_0 = arith.constant 0 : i32
    %c0_i32_1 = arith.constant 0 : i32
    return %arg0, %c0_i32, %c0_i32_0 : i32, i32, i32
  }
  func.func @transform_3(%arg0: i32) -> (i32, i32) {
    %c0_i32 = arith.constant 0 : i32
    %c0_i32_0 = arith.constant 0 : i32
    %c0_i32_1 = arith.constant 0 : i32
    return %c0_i32, %c0_i32_0 : i32, i32
  }
  func.func @transform_4(%arg0: i32) -> (i32, i32) {
    %c0_i32 = arith.constant 0 : i32
    %c0_i32_0 = arith.constant 0 : i32
    %c0_i32_1 = arith.constant 0 : i32
    return %c0_i32, %c0_i32_0 : i32, i32
  }
  func.func @transform_5(%arg0: i32) -> (i32, i32) {
    %c0_i32 = arith.constant 0 : i32
    %c0_i32_0 = arith.constant 0 : i32
    %c0_i32_1 = arith.constant 0 : i32
    return %c0_i32, %c0_i32_0 : i32, i32
  }
  func.func @transform_6(%arg0: i32) -> (i32, i32) {
    %c0_i32 = arith.constant 0 : i32
    %c0_i32_0 = arith.constant 0 : i32
    %c0_i32_1 = arith.constant 0 : i32
    return %c0_i32, %c0_i32_0 : i32, i32
  }
  func.func @transform_7(%arg0: i32) -> (i32, i32) {
    %c0_i32 = arith.constant 0 : i32
    %c0_i32_0 = arith.constant 0 : i32
    return %arg0, %c0_i32 : i32, i32
  }
}

</mosaic_0001>

<sc_bundles>
// kernel: kernel.11.cloned.1.call-start
scs
__scs_entry_jumppad:
0x0: {  	(pc) =	sbr.rel $0x88, $3  }
0x1: {  	(tag) =	ssettag $0x0;
	lr =	simm.s32 $0x1  }
0x2: {  	[smem:$0x3F8E] =	sst lr;
	_ =	strace $0xD0000000  }
0x3: {  	_ = 	snop  }
0x4: {  	_ = 	snop  }
0x5: {  	_ = 	snop  }
0x6: {  	_ = 	snop  }
0x7: {  	_ = 	snop  }
__scs_overlays_trampoline_lowered:
0x8: {  	[smem:$0x3F9D] =	sst s0  }
0x9: {  	[smem:$0x3F9E] =	sst s1  }
0xa: {  	[smem:$0x3F9F] =	sst s2  }
0xb: {  	[smem:$0x3FA0] =	sst s3  }
0xc: {  	[smem:$0x3FA1] =	sst s4  }
0xd: {  	[smem:$0x3FA2] =	sst s5  }
0xe: {  	[smem:$0x3FA3] =	sst s6  }
0xf: {  	[smem:$0x3FA4] =	sst s7  }
0x10: {  	[smem:$0x3FA5] =	sst s8  }
0x11: {  	[smem:$0x3FA6] =	sst s9;
	s0 =	simm.s32 @!p0 $0x0  }
0x12: {  	s1 =	sld [smem:$0x3F8C];
	s0 =	simm.s32 @p0 $0x1  }
0x13: {  	[smem:$0x3FA7] =	sst s0;
	s0 =	simm.s32 @!p1 $0x0  }
0x14: {  	s2 =	sld [smem:$0x3F8B];
	s0 =	simm.s32 @p1 $0x1  }
0x15: {  	[smem:$0x3FA8] =	sst s0;
	s0 =	simm.s32 @!p2 $0x0  }
0x16: {  	s3 =	sld [smem:$0x3FDB];
	s0 =	simm.s32 @p2 $0x1  }
0x17: {  	s4 =	simm.s32 $0x1BF5;
	[smem:$0x3FAA] =	sst s0  }
0x18: {  	s0 =	sld [smem:$0x3F8D];
	_ =	swait.ge [sflag:s4], $0x0  }
0x19: {  	s7 =	sld [smem:$0x3F8E]  }
0x1a: {  	s8 =	sadd.s32 $0xFFFFE003, lr  }
0x1b: {  	s9 =	sadd.s32 $0xFFFFFEF7, lr;
	s5 =	simm.s32 $0xFFFFFFFF;
	p2 =	slt.u32 s8, $0xFFFFF086  }
0x1c: {  	p1 =	slt.u32 s9, $0xF7A;
	s5 =	simm.s32 @!p2 $0x0  }
0x1d: {  	s5 =	simm.s32 @p1 $0x1;
	p0 =	seq.s32 s7, s2  }
0x1e: {  	s7 =	smul.u32 @!p0 $0xF7A, s2;
	p2 =	seq.s32 @!p0 s5, $0x0  }
0x1f: {  	s9 =	smul.u32 $0xF7A, s1;
	s8 =	simm.s32 @!p0 $0x1BF5;
	p2 =	por !p2, p0  }
0x20: {  	[sflag:s8] =	ssyncset.s32 @!p0 $0xFFFFF086;
	s6 =	sadd.s32 @!p0 s3, s7;
	s7 =	simm.s32 @!p0 $0x108  }
0x21: {  	s3 =	sadd.s32 s3, s9;
	s6 =	sadd.s32 @!p0 $0x88, s6;
	s7 =	simm.s32 @p2 $0x1082  }
0x22: {  	[simem:s7], [sflag:s8] =	dma.local @!p0 [hbm:s6], $0xF7A  }
0x23: {  	s9 =	sor.u32 $0xD0000000, s2;
	s6 =	simm.s32 $0x108;
	_ =	swait.ge @!p0 [sflag:s8], $0x0  }
0x24: {  	s3 =	sadd.s32 $0x88, s3;
	s6 =	simm.s32 @!p1 $0x1082;
	[sflag:s4] =	ssyncset.s32 $0xFFFFF086  }
0x25: {  	[simem:s6], [sflag:s4] =	dma.local [hbm:s3], $0xF7A  }
0x26: {  	[smem:$0x3F8E] =	sst s1;
	(tag) =	ssettag s2;
	_ =	strace s9  }
0x27: {  	s1 =	sld [smem:$0x3F9E]  }
0x28: {  	s2 =	sld [smem:$0x3F9F]  }
0x29: {  	s4 =	sld [smem:$0x3FA1]  }
0x2a: {  	p0 =	seq.s32 s5, $0x0;
	s5 =	sld [smem:$0x3FA2]  }
0x2b: {  	s6 =	sld [smem:$0x3FA3]  }
0x2c: {  	s7 =	sld [smem:$0x3FA4]  }
0x2d: {  	s3 =	simm.s32 $0x108;
	s8 =	sld [smem:$0x3FA5]  }
0x2e: {  	s3 =	simm.s32 @!p0 $0x1082;
	s9 =	sld [smem:$0x3FA6]  }
0x2f: {  	lr =	sadd.s32 s0, s3;
	s0 =	sld [smem:$0x3F9D]  }
0x30: {  	s3 =	sld [smem:$0x3FA0]  }
0x31: {  	[smem:$0x3FA9] =	sst s10  }
0x32: {  	s10 =	sld [smem:$0x3FA7];
	_ =	sdelay $0x3  }
0x33: {  	p0 =	seq.s32 s10, $0x1;
	s10 =	sld [smem:$0x3FA9];
	_ =	sdelay $0x3  }
0x34: {  	[smem:$0x3FA9] =	sst s10  }
0x35: {  	s10 =	sld [smem:$0x3FA8];
	_ =	sdelay $0x3  }
0x36: {  	p1 =	seq.s32 s10, $0x1;
	s10 =	sld [smem:$0x3FA9];
	_ =	sdelay $0x3  }
0x37: {  	[smem:$0x3FA9] =	sst s10  }
0x38: {  	s10 =	sld [smem:$0x3FAA]  }
0x39: {  	_ = 	snop;
	(pc) =	sbr.ind lr, $3  }
0x3a: {  	_ = 	snop  }
0x3b: {  	_ = 	snop  }
0x3c: {  	p2 =	seq.s32 s10, $0x1;
	s10 =	sld [smem:$0x3FA9]  }
0x3d: {  	_ =	shalt  }
0x3e: {  	_ =	shalt  }
0x3f: {  	_ =	shalt  }
0x40: {  	_ =	shalt  }
0x41: {  	_ =	shalt  }
0x42: {  	_ =	shalt  }
0x43: {  	_ =	shalt  }
0x44: {  	_ =	shalt  }
0x45: {  	_ =	shalt  }
0x46: {  	_ =	shalt  }
0x47: {  	_ =	shalt  }
0x48: {  	_ =	shalt  }
0x49: {  	_ =	shalt  }
0x4a: {  	_ =	shalt  }
0x4b: {  	_ =	shalt  }
0x4c: {  	_ =	shalt  }
0x4d: {  	_ =	shalt  }
0x4e: {  	_ =	shalt  }
0x4f: {  	_ =	shalt  }
0x50: {  	_ =	shalt  }
0x51: {  	_ =	shalt  }
0x52: {  	_ =	shalt  }
0x53: {  	_ =	shalt  }
0x54: {  	_ =	shalt  }
0x55: {  	_ =	shalt  }
0x56: {  	_ =	shalt  }
0x57: {  	_ =	shalt  }
0x58: {  	_ =	shalt  }
0x59: {  	_ =	shalt  }
0x5a: {  	_ =	shalt  }
0x5b: {  	_ =	shalt  }
0x5c: {  	_ =	shalt  }
0x5d: {  	_ =	shalt  }
0x5e: {  	_ =	shalt  }
0x5f: {  	_ =	shalt  }
0x60: {  	_ =	shalt  }
0x61: {  	_ =	shalt  }
0x62: {  	_ =	shalt  }
0x63: {  	_ =	shalt  }
0x64: {  	_ =	shalt  }
0x65: {  	_ =	shalt  }
0x66: {  	_ =	shalt  }
0x67: {  	_ =	shalt  }
0x68: {  	_ =	shalt  }
0x69: {  	_ =	shalt  }
0x6a: {  	_ =	shalt  }
0x6b: {  	_ =	shalt  }
0x6c: {  	_ =	shalt  }
0x6d: {  	_ =	shalt  }
0x6e: {  	_ =	shalt  }
0x6f: {  	_ =	shalt  }
0x70: {  	_ =	shalt  }
0x71: {  	_ =	shalt  }
0x72: {  	_ =	shalt  }
0x73: {  	_ =	shalt  }
0x74: {  	_ =	shalt  }
0x75: {  	_ =	shalt  }
0x76: {  	_ =	shalt  }
0x77: {  	_ =	shalt  }
0x78: {  	_ =	shalt  }
0x79: {  	_ =	shalt  }
0x7a: {  	_ =	shalt  }
0x7b: {  	_ =	shalt  }
0x7c: {  	_ =	shalt  }
0x7d: {  	_ =	shalt  }
0x7e: {  	_ =	shalt  }
0x7f: {  	_ =	shalt  }
0x80: {  	_ =	shalt  }
0x81: {  	_ =	shalt  }
0x82: {  	_ =	shalt  }
0x83: {  	_ =	shalt  }
0x84: {  	_ =	shalt  }
0x85: {  	_ =	shalt  }
0x86: {  	_ =	shalt  }
0x87: {  	_ =	shalt  }
.Lfunc_end0:
.L_simem_size_0:
called_computation.1_lowered:
.L_overlay_start_0:
0x88: {  	s2 =	sld [smem:$0x3FD9]  }
0x89: {  	s3 =	sld [smem:$0x3FFE];
	_ =	sdelay $0x1  }
0x8a: {  	s1 =	srdreg.scid  }
0x8b: {  	s0 =	sand.u32 $0x1, s1  }
0x8c: {  	s17 =	sshll.u32 s0, $0xA;
	s2 =	sadd.s32 s3, s2  }
0x8d: {  	s2 =	sadd.s32 s2, s17  }
0x8e: {  	[smem:$0x3FB5] =	sst s2  }
0x8f: {  	_ = 	snop  }
0x90: {  	s2 =	sld [smem:$0x3FD0];
	(tm) =	ssettm $0x1  }
0x91: {  	s18 =	sld [smem:$0x3FFB];
	_ =	sdelay $0x3  }
0x92: {  	_ =	strace s18  }
0x93: {  	s3 =	sld [smem:$0x3FFC];
	_ =	sdelay $0x3  }
0x94: {  	_ =	strace s3  }
0x95: {  	s3 =	sld [smem:$0x3FFD];
	_ =	sdelay $0x3  }
0x96: {  	_ =	strace s3  }
0x97: {  	_ =	strace $0x8FFFFFFF  }
0x98: {  	s19 =	sld [smem:$0x3FDB];
	_ =	sdelay $0x1  }
0x99: {  	s4 =	simm.s32 $_scs_section_size  }
0x9a: {  	s5 =	simm.s32 $_size__tile_overlayer_lowered;
	s6 =	simm.s32 $_tile_overlayer_lowered  }
0x9b: {  	s22 =	simm.s32 $0x1BFF;
	s21 =	sshll.u32 s6, $0x1;
	s3 =	sadd.s32 s4, s19  }
0x9c: {  	s7 =	simm.s32 $0x0;
	s20 =	sshll.u32 s5, $0x1;
	s5 =	sadd.s32 s21, s3  }
0x9d: {  	[timem:s7], [sflag:s22] =	dma.local [hbm:s5], s20  }
0x9e: {  	_ =	swait.ge [sflag:s22], s20  }
0x9f: {  	s4 =	ssub.s32 $0x0, s20;
	[sflag:s22] =	ssyncset.done $0x0  }
0xa0: {  	[sflag:s22] =	ssyncadd.s32 s4;
	_ =	sdelay $0x1  }
0xa1: {  	s23 =	simm.s32 $0x1B8B  }
0xa2: {  	_ =	swait.ge [sflag:s23], $0x1  }
0xa3: {  	[sflag:s23] =	ssyncset.done $0x0  }
0xa4: {  	s25 =	simm.s32 $0x1B8E;
	s24 =	sld [smem:$0x3FFE];
	[sflag:s23] =	ssyncadd.s32 $0xFFFFFFFF  }
0xa5: {  	s26 =	simm.s32 $execute0_lowered;
	[smem:$0x3FD2] =	sst s25  }
0xa6: {  	s5 =	sshll.u32 s26, $0x1;
	_ =	strace $0x80000049;
	[dreg:$0x1] =	wrdreg $0xFFFFFFFF  }
0xa7: {  	s28 =	simm.s32 $_size_execute0_lowered;
	s3 =	sadd.s32 s3, s5;
	[dreg:$0x0] =	wrdreg $0x0  }
0xa8: {  	s5 =	sshll.u32 s28, $0x1;
	[dreg:$0x2] =	wrdreg s3  }
0xa9: {  	[dreg:$0x3] =	wrdreg s5  }
0xaa: {  	[dreg:$0x4] =	wrdreg $0xC0  }
0xab: {  	_ =	task [dreg:s7], $0x5FFFF  }
0xac: {  	[dreg:$0x1] =	wrdreg $0xFFFFFFFF  }
0xad: {  	[dreg:$0x0] =	wrdreg $0x60  }
0xae: {  	[dreg:$0x2] =	wrdreg s24  }
0xaf: {  	[dreg:$0x3] =	wrdreg s2  }
0xb0: {  	[dreg:$0x4] =	wrdreg $0x0  }
0xb1: {  	[dreg:$0x5] =	wrdreg $0x9  }
0xb2: {  	_ =	task.clear_ibuf [dreg:s7], $0x6FFFF;
	_ =	strace $0x90000049  }
0xb3: {  	s29 =	simm.s32 $0x9;
	_ =	strace $0x8000004B  }
0xb4: {  	_ =	swait.ge [sflag:s29], $0x1  }
0xb5: {  	[sflag:s29] =	ssyncadd.s32 $0xFFFFFFFF  }
0xb6: {  	_ =	strace $0x9000004B  }
0xb7: {  	_ =	sfence  }
0xb8: {  	s30 =	sld [smem:$0x0];
	_ =	sdelay $0x2  }
0xb9: {  	s31 =	sshll.u32 s1, $0xD;
	s1 =	sshrl.u32 s1, $0x2  }
0xba: {  	s3 =	sand.u32 $0x4000, s31;
	s1 =	sadd.s32 s1, s30  }
0xbb: {  	s0 =	sor.u32 s3, s0;
	s1 =	sshll.u32 s1, $0x11  }
0xbc: {  	s0 =	sor.u32 s1, s0  }
0xbd: {  	s0 =	sadd.s32 $0x8F2B, s0  }
0xbe: {  	[sflag:s0] =	ssyncadd.remote.s32 $0x1  }
0xbf: {  	_ =	sfence.sel $0xFFFF  }
0xc0: {  	[dreg:$0x0] =	wrdreg $0xFFFFFFFF;
	(pc) =	sbr.abs _section_cstart, $3  }
0xc1: {  	[dreg:$0x1] =	wrdreg $0xFFFFFFFF  }
0xc2: {  	_ =	task.clear_ibuf [dreg:s7], $0x2FFFF;
	_ =	strace $0x9FFFFFFF  }
0xc3: {  	(tm) =	ssettm $0x7FFFFFFF  }
tec
execute0_lowered:
.L_overlay_start_1:
0x0: {  	(tag) =	ssettag $0x1  }
0x1: {  	s0 =	rddreg [dreg:$0x0]  }
0x2: {  	s2 =	rddreg [dreg:$0x1]  }
0x3: {  	s3 =	rddreg [dreg:$0x2]  }
0x4: {  	s5 =	srdreg.scid;
	s1 =	stileid.u32  }
0x5: {  	s4 =	simm.s32 $0x0;
	s15 =	simm.s32 $0x18CE0;
	s16 =	simm.s32 $0x5  }
0x6: {  	s17 =	simm.s32 $0x186A0;
	s18 =	simm.s32 $0x18830;
	s19 =	simm.s32 $0x189C0  }
0x7: {  	s20 =	simm.s32 $0x18B50;
	s21 =	simm.s32 $0x1;
	s22 =	simm.s32 $0x190  }
0x8: {  	s23 =	simm.s32 $0x2;
	s24 =	simm.s32 $0x1BEE0;
	s25 =	simm.s32 $0x3  }
0x9: {  	s28 =	simm.s32 $0x10;
	s29 =	simm.s32 $0x0;
	s11 =	smul.u32 $0x61A80, s1  }
0xa: {  	s26 =	sand.u32 $0x1, s5;
	[smem:$0x7FF] =	sst s4;
	s12 =	smul.u32 $0xC350, s1  }
0xb: {  	s5 =	sadd.s32 $0xC9800, s0;
	s6 =	sshll.u32 s26, $0x5;
	_ =	strace $0x8000004A  }
0xc: {  	s7 =	ssub.s32 $0x2, s26;
	v0 =	vmov s26;
	s26 =	simm.s32 $0x4;
	s6 =	sor.u32 s6, s11  }
0xd: {  	s8 =	sshrl.u32 s12, $0x3;
	s9 =	sshrl.u32 s7, $0x1;
	s10 =	sadd.s32 $0x320, s12  }
0xe: {  	s13 =	sshrl.u32 s11, $0x2;
	s11 =	sadd.s32 $0x4B0, s12;
	s6 =	sshrl.u32 s6, $0x3  }
0xf: {  	s14 =	ssub.s32 s7, s9;
	s0 =	sadd.s32 s6, s0;
	s6 =	sadd.s32 s2, s8  }
0x10: {  	s13 =	sadd.s32 s13, s3;
	s14 =	smax.u32 s14, $0x1;
	s7 =	sadd.s32 $0x186A0, s6  }
0x11: {  	v1 =	vimm.f32 $0.0e+00;
	s8 =	sadd.s32 $0x32, s6;
	s9 =	sadd.s32 $0x186D2, s6;
	s12 =	sadd.s32 $0x3000, s0  }
.LBB2_1:
0x12: {  	s0 =	simm.s32 $0x0  }
.LBB2_2:
0x13: {  	p0 =	sne.s32 s0, $0x3E00  }
.Ltmp0:
0x14: {  	_ = 	snop;
	(pc) =	sbr.rel @p0 .LBB2_2-.Ltmp0, $4  }
0x15: {  	_ = 	snop  }
0x16: {  	s30 =	sshra.s32 s0, $0x2  }
0x17: {  	[tilespmem:s30+$0x18CE0] =	vst v1  }
0x18: {  	s0 =	sadd.s32 $0x80, s0;
	[tilespmem:s30+$0x18CF0] =	vst v1  }
0x19: {  	s0 =	sadd.s32 $0x0, s13  }
0x1a: {  	[spmem:s0] =	stream.linear.scatter [tilespmem:s15], [sflag:$0x5], $0xFA0, $0x38;
	[tilespmem:$0x1F0E0] =	vst v63  }
0x1b: {  	s30 =	simm.s32 $0x3E80;
	_ =	swait.ge [sflag:s16], $0xFA0  }
.LBB2_4:
0x1c: {  	s0 =	sshra.s32 s30, $0x2;
	[sflag:s16] =	ssyncset.done $0x0;
	p0 =	sne.s32 s30, $0x5DC00  }
.Ltmp1:
0x1d: {  	s0 =	sadd.s32 s0, s13;
	[sflag:s16] =	ssyncadd.s32 $0xFFFFF060;
	(pc) =	sbr.rel @p0 .LBB2_4-.Ltmp1, $3  }
0x1e: {  	[spmem:s0] =	stream.linear.scatter [tilespmem:s15], [sflag:$0x5], $0xFA0, $0x38;
	[tilespmem:$0x1F0E0] =	vst v63  }
0x1f: {  	s30 =	sadd.s32 $0x3E80, s30;
	_ =	sdelay $0x1  }
0x20: {  	_ =	swait.ge [sflag:s16], $0xFA0  }
0x21: {  	[sflag:s16] =	ssyncset.done $0x0  }
0x22: {  	[sflag:s16] =	ssyncadd.s32 $0xFFFFF060  }
0x23: {  	s30 =	simm.s32 $0x0;
	[bflag:$0x0] =	sbarrier.arrive $0xFFFF  }
0x24: {  	[tilespmem:s17], [sflag:$0x1] =	stream.linear.gather [hbm4b:s6+s30], $0x190, $0x38;
	[tilespmem:$0x1F0E0] =	vst v63  }
0x25: {  	_ = 	snop  }
0x26: {  	[tilespmem:s18], [sflag:$0x1] =	stream.linear.gather [hbm4b:s7+s30], $0x190, $0x38;
	[tilespmem:$0x1F0E0] =	vst v63  }
0x27: {  	_ = 	snop  }
0x28: {  	[tilespmem:s19], [sflag:$0x2] =	stream.linear.gather [hbm4b:s8+s30], $0x190, $0x38;
	[tilespmem:$0x1F0E0] =	vst v63  }
0x29: {  	_ = 	snop  }
0x2a: {  	[tilespmem:s20], [sflag:$0x2] =	stream.linear.gather [hbm4b:s9+s30], $0x190, $0x38;
	[tilespmem:$0x1F0E0] =	vst v63  }
.LBB2_6:
0x2b: {  	_ =	swait.ge [sflag:s21], $0x190  }
0x2c: {  	[sflag:s21] =	ssyncset.done $0x0  }
0x2d: {  	[sflag:s21] =	ssyncadd.s32 $0xFFFFFE70  }
0x2e: {  	_ =	swait.ge [sflag:s21], $0x190  }
0x2f: {  	[sflag:s21] =	ssyncset.done $0x0  }
0x30: {  	s31 =	simm.s32 $0x0;
	s0 =	simm.s32 $0x40;
	[sflag:s21] =	ssyncadd.s32 $0xFFFFFE70  }
.LBB2_7:
0x31: {  	p0 =	sne.s32 s0, $0x600;
	v2 =	vld [tilespmem:s31+$0x186A0];
	_ =	sdelay $0x2  }
.Ltmp2:
0x32: {  	(pc) =	sbr.rel @p0 .LBB2_7-.Ltmp2, $4  }
0x33: {  	_ = 	snop  }
0x34: {  	v2 =	vshll.u32 v2, $0x2  }
0x35: {  	v2 =	vor.u32 v0, v2  }
0x36: {  	[tilespmem:s31+$0x186A0] =	vst v2;
	s31 =	sshra.s32 s0, $0x2;
	s0 =	sadd.s32 $0x40, s0  }
0x37: {  	v2 =	vld [tilespmem:s31+$0x186A0];
	_ =	sdelay $0x4  }
0x38: {  	v2 =	vshll.u32 v2, $0x2  }
0x39: {  	v2 =	vor.u32 v0, v2  }
0x3a: {  	[tilespmem:s31+$0x186A0] =	vst v2  }
0x3b: {  	[tilespmem:s15], [sflag:$0x3] =	stream.indirect.gather [hbm4b:s5+s22], $0x20, s17, s22, $0xb8;
	[tilespmem:$0x1F0E0] =	vst v63  }
0x3c: {  	_ =	swait.ge [sflag:s23], $0x190  }
0x3d: {  	[sflag:s23] =	ssyncset.done $0x0  }
0x3e: {  	[sflag:s23] =	ssyncadd.s32 $0xFFFFFE70  }
0x3f: {  	_ =	swait.ge [sflag:s23], $0x190  }
0x40: {  	[sflag:s23] =	ssyncset.done $0x0  }
0x41: {  	s0 =	simm.s32 $0x40;
	s31 =	simm.s32 $0x0;
	[sflag:s23] =	ssyncadd.s32 $0xFFFFFE70  }
.LBB2_9:
0x42: {  	p0 =	sne.s32 s0, $0x600;
	v2 =	vld [tilespmem:s31+$0x189C0];
	_ =	sdelay $0x2  }
.Ltmp3:
0x43: {  	(pc) =	sbr.rel @p0 .LBB2_9-.Ltmp3, $4  }
0x44: {  	_ = 	snop  }
0x45: {  	v2 =	vshll.u32 v2, $0x2  }
0x46: {  	v2 =	vor.u32 v0, v2  }
0x47: {  	[tilespmem:s31+$0x189C0] =	vst v2;
	s31 =	sshra.s32 s0, $0x2;
	s0 =	sadd.s32 $0x40, s0  }
0x48: {  	v2 =	vld [tilespmem:s31+$0x189C0];
	_ =	sdelay $0x4  }
0x49: {  	v2 =	vshll.u32 v2, $0x2  }
0x4a: {  	v2 =	vor.u32 v0, v2  }
0x4b: {  	[tilespmem:s31+$0x189C0] =	vst v2  }
0x4c: {  	[tilespmem:s24], [sflag:$0x4] =	stream.indirect.gather [hbm4b:s5+s22], $0x20, s19, s22, $0xb8;
	[tilespmem:$0x1F0E0] =	vst v63  }
0x4d: {  	_ =	swait.ge [sflag:s25], $0x3200  }
0x4e: {  	[sflag:s25] =	ssyncset.done $0x0  }
0x4f: {  	s31 =	smul.u32 $0x320, s30;
	[sflag:s25] =	ssyncadd.s32 $0xFFFFCE00  }
0x50: {  	[spmem:s3] =	stream.indirect.scatter.add.f32 [tilespmem:s15], [sflag:$0x5], $0x20, s18, s22, $0xb8;
	[tilespmem:$0x1F0E0] =	vst v63  }
0x51: {  	s0 =	sadd.s32 s31, s10;
	_ =	swait.ge [sflag:s16], $0x3200  }
0x52: {  	s0 =	sshrl.u32 s0, $0x3;
	[sflag:s16] =	ssyncset.done $0x0  }
0x53: {  	s0 =	sadd.s32 s2, s0;
	[sflag:s16] =	ssyncadd.s32 $0xFFFFCE00  }
0x54: {  	[tilespmem:s17], [sflag:$0x1] =	stream.linear.gather [hbm4b:s0+s4], $0x190, $0x38;
	[tilespmem:$0x1F0E0] =	vst v63  }
0x55: {  	s0 =	sadd.s32 $0x186A0, s0  }
0x56: {  	[tilespmem:s18], [sflag:$0x1] =	stream.linear.gather [hbm4b:s0+s4], $0x190, $0x38;
	[tilespmem:$0x1F0E0] =	vst v63  }
0x57: {  	_ =	swait.ge [sflag:s26], $0x3200  }
0x58: {  	p0 =	seq.s32 s30, $0x3D;
	[sflag:s26] =	ssyncset.done $0x0  }
.Ltmp4:
0x59: {  	[sflag:s26] =	ssyncadd.s32 $0xFFFFCE00;
	(pc) =	sbr.rel @p0 .LBB2_12-.Ltmp4, $4  }
0x5a: {  	[spmem:s3] =	stream.indirect.scatter.add.f32 [tilespmem:s24], [sflag:$0x5], $0x20, s20, s22, $0xb8;
	[tilespmem:$0x1F0E0] =	vst v63  }
0x5b: {  	_ =	swait.ge [sflag:s16], $0x3200  }
0x5c: {  	[sflag:s16] =	ssyncset.done $0x0  }
0x5d: {  	[sflag:s16] =	ssyncadd.s32 $0xFFFFCE00  }
0x5e: {  	s0 =	sadd.s32 s31, s11  }
.Ltmp5:
0x5f: {  	s0 =	sshrl.u32 s0, $0x3;
	(pc) =	sbr.rel .LBB2_6-.Ltmp5, $4  }
0x60: {  	s0 =	sadd.s32 s2, s0  }
0x61: {  	[tilespmem:s19], [sflag:$0x2] =	stream.linear.gather [hbm4b:s0+s4], $0x190, $0x38;
	[tilespmem:$0x1F0E0] =	vst v63  }
0x62: {  	s30 =	sadd.s32 $0x1, s30;
	s0 =	sadd.s32 $0x186A0, s0  }
0x63: {  	[tilespmem:s20], [sflag:$0x2] =	stream.linear.gather [hbm4b:s0+s4], $0x190, $0x38;
	[tilespmem:$0x1F0E0] =	vst v63  }
.LBB2_12:
0x64: {  	_ =	swait.ge [sflag:s21], $0x190  }
0x65: {  	[sflag:s21] =	ssyncset.done $0x0  }
0x66: {  	[sflag:s21] =	ssyncadd.s32 $0xFFFFFE70  }
0x67: {  	_ =	swait.ge [sflag:s21], $0x190  }
0x68: {  	[sflag:s21] =	ssyncset.done $0x0  }
0x69: {  	s30 =	simm.s32 $0x0;
	s0 =	simm.s32 $0x40;
	[sflag:s21] =	ssyncadd.s32 $0xFFFFFE70  }
.LBB2_13:
0x6a: {  	p0 =	sne.s32 s0, $0x600;
	v2 =	vld [tilespmem:s30+$0x186A0];
	_ =	sdelay $0x2  }
.Ltmp6:
0x6b: {  	(pc) =	sbr.rel @p0 .LBB2_13-.Ltmp6, $4  }
0x6c: {  	_ = 	snop  }
0x6d: {  	v2 =	vshll.u32 v2, $0x2  }
0x6e: {  	v2 =	vor.u32 v0, v2  }
0x6f: {  	[tilespmem:s30+$0x186A0] =	vst v2;
	s30 =	sshra.s32 s0, $0x2;
	s0 =	sadd.s32 $0x40, s0  }
0x70: {  	v2 =	vld [tilespmem:s30+$0x186A0];
	_ =	sdelay $0x4  }
0x71: {  	v2 =	vshll.u32 v2, $0x2  }
0x72: {  	v2 =	vor.u32 v0, v2  }
0x73: {  	[tilespmem:s30+$0x186A0] =	vst v2  }
0x74: {  	[tilespmem:s15], [sflag:$0x3] =	stream.indirect.gather [hbm4b:s5+s22], $0x20, s17, s22, $0xb8;
	[tilespmem:$0x1F0E0] =	vst v63  }
0x75: {  	_ =	swait.ge [sflag:s25], $0x3200  }
0x76: {  	[sflag:s25] =	ssyncset.done $0x0  }
0x77: {  	[sflag:s25] =	ssyncadd.s32 $0xFFFFCE00  }
0x78: {  	[spmem:s3] =	stream.indirect.scatter.add.f32 [tilespmem:s15], [sflag:$0x5], $0x20, s18, s22, $0xb8;
	[tilespmem:$0x1F0E0] =	vst v63  }
0x79: {  	_ =	swait.ge [sflag:s16], $0x3200  }
0x7a: {  	s0 =	sshll.u32 s1, $0x6;
	s29 =	sadd.s32 $0x1, s29;
	[sflag:s16] =	ssyncset.done $0x0  }
0x7b: {  	s31 =	sshrl.u32 s13, $0x3;
	p0 =	sne.s32 s29, s14;
	[sflag:s16] =	ssyncadd.s32 $0xFFFFCE00  }
.Ltmp7:
0x7c: {  	s0 =	sor.u32 $0x1C05, s0;
	[bflag:$0x0] =	sbarrier.arrive $0xFFFF;
	(pc) =	sbr.rel @p0 .LBB2_1-.Ltmp7, $4  }
0x7d: {  	[hbm:s12@s28], [sflag:s0] =	dma.strided [spmem:s31@s26], $0x30D4, s21, $0x4   }
0x7e: {  	_ =	swait.ge [sflag:s16], $0x30D4  }
0x7f: {  	[sflag:s16] =	ssyncset.done $0x0  }
0x80: {  	[sflag:s16] =	ssyncadd.s32 $0xFFFFCF2C  }
0x81: {  	_ =	sfence.sel $0x180000  }
0x82: {  	[bflag:$0x0] =	sbarrier.arrive $0xFFFF  }
0x83: {  	_ =	strace $0x9000004A  }
0x84: {  	[bflag:$0x2] =	sbarrier.arrive $0xFFFF  }
0x85: {  	p0 =	sne.s32 s1, $0x0;
	s0 =	rddreg [dreg:$0x3]  }
0x86: {  	s0 =	sadd.s32 @!p0 $0x100000, s0  }
0x87: {  	[sflag:s0] =	ssyncadd.tile.s32 @!p0 $0x1;
	_ =	shalt  }
.Lfunc_end2:
_tile_overlayer_lowered:
.L_overlay_start_2:
0x88: {  	(tag) =	ssettag $0x2  }
0x89: {  	s0 =	rddreg [dreg:$0x0];
	s2 =	stileid.u32  }
0x8a: {  	s1 =	rddreg [dreg:$0x1];
	p0 =	sne.s32 s2, $0x0  }
0x8b: {  	s3 =	rddreg [dreg:$0x2];
	[bflag:$0x3] =	sbarrier.arrive $0xFFFF;
	s2 =	simm.s32 @!p0 $0x1C05  }
0x8c: {  	[timem:s3], [sflag:s2] =	dma.local @!p0 [hbm:s0], s1  }
0x8d: {  	s0 =	simm.s32 @!p0 $0x5  }
0x8e: {  	_ =	swait.ge @!p0 [sflag:s0], s1  }
0x8f: {  	s1 =	ssub.s32 @!p0 $0x0, s1;
	[sflag:s0] =	ssyncset.done @!p0 $0x0  }
0x90: {  	[sflag:s0] =	ssyncadd.s32 @!p0 s1  }
0x91: {  	[bflag:$0x3] =	sbarrier.arrive $0xFFFF  }
0x92: {  	_ =	shalt  }

// kernel: kernel.8.cloned.1.call-start
scs
__scs_entry_jumppad:
0x0: {  	(pc) =	sbr.rel $0x88, $3  }
0x1: {  	(tag) =	ssettag $0x0;
	lr =	simm.s32 $0x1  }
0x2: {  	[smem:$0x3F8E] =	sst lr;
	_ =	strace $0xD0000000  }
0x3: {  	_ = 	snop  }
0x4: {  	_ = 	snop  }
0x5: {  	_ = 	snop  }
0x6: {  	_ = 	snop  }
0x7: {  	_ = 	snop  }
__scs_overlays_trampoline_lowered:
0x8: {  	[smem:$0x3F9D] =	sst s0  }
0x9: {  	[smem:$0x3F9E] =	sst s1  }
0xa: {  	[smem:$0x3F9F] =	sst s2  }
0xb: {  	[smem:$0x3FA0] =	sst s3  }
0xc: {  	[smem:$0x3FA1] =	sst s4  }
0xd: {  	[smem:$0x3FA2] =	sst s5  }
0xe: {  	[smem:$0x3FA3] =	sst s6  }
0xf: {  	[smem:$0x3FA4] =	sst s7  }
0x10: {  	[smem:$0x3FA5] =	sst s8  }
0x11: {  	[smem:$0x3FA6] =	sst s9;
	s0 =	simm.s32 @!p0 $0x0  }
0x12: {  	s1 =	sld [smem:$0x3F8C];
	s0 =	simm.s32 @p0 $0x1  }
0x13: {  	[smem:$0x3FA7] =	sst s0;
	s0 =	simm.s32 @!p1 $0x0  }
0x14: {  	s2 =	sld [smem:$0x3F8B];
	s0 =	simm.s32 @p1 $0x1  }
0x15: {  	[smem:$0x3FA8] =	sst s0;
	s0 =	simm.s32 @!p2 $0x0  }
0x16: {  	s3 =	sld [smem:$0x3FDB];
	s0 =	simm.s32 @p2 $0x1  }
0x17: {  	s4 =	simm.s32 $0x1BF5;
	[smem:$0x3FAA] =	sst s0  }
0x18: {  	s0 =	sld [smem:$0x3F8D];
	_ =	swait.ge [sflag:s4], $0x0  }
0x19: {  	s7 =	sld [smem:$0x3F8E]  }
0x1a: {  	s8 =	sadd.s32 $0xFFFFE003, lr  }
0x1b: {  	s9 =	sadd.s32 $0xFFFFFEF7, lr;
	s5 =	simm.s32 $0xFFFFFFFF;
	p2 =	slt.u32 s8, $0xFFFFF086  }
0x1c: {  	p1 =	slt.u32 s9, $0xF7A;
	s5 =	simm.s32 @!p2 $0x0  }
0x1d: {  	s5 =	simm.s32 @p1 $0x1;
	p0 =	seq.s32 s7, s2  }
0x1e: {  	s7 =	smul.u32 @!p0 $0xF7A, s2;
	p2 =	seq.s32 @!p0 s5, $0x0  }
0x1f: {  	s9 =	smul.u32 $0xF7A, s1;
	s8 =	simm.s32 @!p0 $0x1BF5;
	p2 =	por !p2, p0  }
0x20: {  	[sflag:s8] =	ssyncset.s32 @!p0 $0xFFFFF086;
	s6 =	sadd.s32 @!p0 s3, s7;
	s7 =	simm.s32 @!p0 $0x108  }
0x21: {  	s3 =	sadd.s32 s3, s9;
	s6 =	sadd.s32 @!p0 $0x88, s6;
	s7 =	simm.s32 @p2 $0x1082  }
0x22: {  	[simem:s7], [sflag:s8] =	dma.local @!p0 [hbm:s6], $0xF7A  }
0x23: {  	s9 =	sor.u32 $0xD0000000, s2;
	s6 =	simm.s32 $0x108;
	_ =	swait.ge @!p0 [sflag:s8], $0x0  }
0x24: {  	s3 =	sadd.s32 $0x88, s3;
	s6 =	simm.s32 @!p1 $0x1082;
	[sflag:s4] =	ssyncset.s32 $0xFFFFF086  }
0x25: {  	[simem:s6], [sflag:s4] =	dma.local [hbm:s3], $0xF7A  }
0x26: {  	[smem:$0x3F8E] =	sst s1;
	(tag) =	ssettag s2;
	_ =	strace s9  }
0x27: {  	s1 =	sld [smem:$0x3F9E]  }
0x28: {  	s2 =	sld [smem:$0x3F9F]  }
0x29: {  	s4 =	sld [smem:$0x3FA1]  }
0x2a: {  	p0 =	seq.s32 s5, $0x0;
	s5 =	sld [smem:$0x3FA2]  }
0x2b: {  	s6 =	sld [smem:$0x3FA3]  }
0x2c: {  	s7 =	sld [smem:$0x3FA4]  }
0x2d: {  	s3 =	simm.s32 $0x108;
	s8 =	sld [smem:$0x3FA5]  }
0x2e: {  	s3 =	simm.s32 @!p0 $0x1082;
	s9 =	sld [smem:$0x3FA6]  }
0x2f: {  	lr =	sadd.s32 s0, s3;
	s0 =	sld [smem:$0x3F9D]  }
0x30: {  	s3 =	sld [smem:$0x3FA0]  }
0x31: {  	[smem:$0x3FA9] =	sst s10  }
0x32: {  	s10 =	sld [smem:$0x3FA7];
	_ =	sdelay $0x3  }
0x33: {  	p0 =	seq.s32 s10, $0x1;
	s10 =	sld [smem:$0x3FA9];
	_ =	sdelay $0x3  }
0x34: {  	[smem:$0x3FA9] =	sst s10  }
0x35: {  	s10 =	sld [smem:$0x3FA8];
	_ =	sdelay $0x3  }
0x36: {  	p1 =	seq.s32 s10, $0x1;
	s10 =	sld [smem:$0x3FA9];
	_ =	sdelay $0x3  }
0x37: {  	[smem:$0x3FA9] =	sst s10  }
0x38: {  	s10 =	sld [smem:$0x3FAA]  }
0x39: {  	_ = 	snop;
	(pc) =	sbr.ind lr, $3  }
0x3a: {  	_ = 	snop  }
0x3b: {  	_ = 	snop  }
0x3c: {  	p2 =	seq.s32 s10, $0x1;
	s10 =	sld [smem:$0x3FA9]  }
0x3d: {  	_ =	shalt  }
0x3e: {  	_ =	shalt  }
0x3f: {  	_ =	shalt  }
0x40: {  	_ =	shalt  }
0x41: {  	_ =	shalt  }
0x42: {  	_ =	shalt  }
0x43: {  	_ =	shalt  }
0x44: {  	_ =	shalt  }
0x45: {  	_ =	shalt  }
0x46: {  	_ =	shalt  }
0x47: {  	_ =	shalt  }
0x48: {  	_ =	shalt  }
0x49: {  	_ =	shalt  }
0x4a: {  	_ =	shalt  }
0x4b: {  	_ =	shalt  }
0x4c: {  	_ =	shalt  }
0x4d: {  	_ =	shalt  }
0x4e: {  	_ =	shalt  }
0x4f: {  	_ =	shalt  }
0x50: {  	_ =	shalt  }
0x51: {  	_ =	shalt  }
0x52: {  	_ =	shalt  }
0x53: {  	_ =	shalt  }
0x54: {  	_ =	shalt  }
0x55: {  	_ =	shalt  }
0x56: {  	_ =	shalt  }
0x57: {  	_ =	shalt  }
0x58: {  	_ =	shalt  }
0x59: {  	_ =	shalt  }
0x5a: {  	_ =	shalt  }
0x5b: {  	_ =	shalt  }
0x5c: {  	_ =	shalt  }
0x5d: {  	_ =	shalt  }
0x5e: {  	_ =	shalt  }
0x5f: {  	_ =	shalt  }
0x60: {  	_ =	shalt  }
0x61: {  	_ =	shalt  }
0x62: {  	_ =	shalt  }
0x63: {  	_ =	shalt  }
0x64: {  	_ =	shalt  }
0x65: {  	_ =	shalt  }
0x66: {  	_ =	shalt  }
0x67: {  	_ =	shalt  }
0x68: {  	_ =	shalt  }
0x69: {  	_ =	shalt  }
0x6a: {  	_ =	shalt  }
0x6b: {  	_ =	shalt  }
0x6c: {  	_ =	shalt  }
0x6d: {  	_ =	shalt  }
0x6e: {  	_ =	shalt  }
0x6f: {  	_ =	shalt  }
0x70: {  	_ =	shalt  }
0x71: {  	_ =	shalt  }
0x72: {  	_ =	shalt  }
0x73: {  	_ =	shalt  }
0x74: {  	_ =	shalt  }
0x75: {  	_ =	shalt  }
0x76: {  	_ =	shalt  }
0x77: {  	_ =	shalt  }
0x78: {  	_ =	shalt  }
0x79: {  	_ =	shalt  }
0x7a: {  	_ =	shalt  }
0x7b: {  	_ =	shalt  }
0x7c: {  	_ =	shalt  }
0x7d: {  	_ =	shalt  }
0x7e: {  	_ =	shalt  }
0x7f: {  	_ =	shalt  }
0x80: {  	_ =	shalt  }
0x81: {  	_ =	shalt  }
0x82: {  	_ =	shalt  }
0x83: {  	_ =	shalt  }
0x84: {  	_ =	shalt  }
0x85: {  	_ =	shalt  }
0x86: {  	_ =	shalt  }
0x87: {  	_ =	shalt  }
.Lfunc_end0:
.L_simem_size_0:
called_computation_lowered:
.L_overlay_start_0:
0x88: {  	s2 =	sld [smem:$0x3FD9]  }
0x89: {  	s3 =	sld [smem:$0x3FFE];
	_ =	sdelay $0x1  }
0x8a: {  	s1 =	srdreg.scid  }
0x8b: {  	s0 =	sand.u32 $0x1, s1  }
0x8c: {  	s17 =	sshll.u32 s0, $0xA;
	s2 =	sadd.s32 s3, s2  }
0x8d: {  	s2 =	sadd.s32 s2, s17  }
0x8e: {  	[smem:$0x3FB5] =	sst s2  }
0x8f: {  	_ = 	snop  }
0x90: {  	s2 =	sld [smem:$0x3FD0];
	(tm) =	ssettm $0x1  }
0x91: {  	s18 =	sld [smem:$0x3FFB];
	_ =	sdelay $0x3  }
0x92: {  	_ =	strace s18  }
0x93: {  	s3 =	sld [smem:$0x3FFC];
	_ =	sdelay $0x3  }
0x94: {  	_ =	strace s3  }
0x95: {  	s3 =	sld [smem:$0x3FFD];
	_ =	sdelay $0x3  }
0x96: {  	_ =	strace s3  }
0x97: {  	_ =	strace $0x8FFFFFFF  }
0x98: {  	s19 =	sld [smem:$0x3FDB];
	_ =	sdelay $0x1  }
0x99: {  	s4 =	simm.s32 $_scs_section_size  }
0x9a: {  	s5 =	simm.s32 $_size__tile_overlayer_lowered;
	s6 =	simm.s32 $_tile_overlayer_lowered  }
0x9b: {  	s22 =	simm.s32 $0x1BFF;
	s21 =	sshll.u32 s6, $0x1;
	s3 =	sadd.s32 s4, s19  }
0x9c: {  	s7 =	simm.s32 $0x0;
	s20 =	sshll.u32 s5, $0x1;
	s5 =	sadd.s32 s21, s3  }
0x9d: {  	[timem:s7], [sflag:s22] =	dma.local [hbm:s5], s20  }
0x9e: {  	_ =	swait.ge [sflag:s22], s20  }
0x9f: {  	s4 =	ssub.s32 $0x0, s20;
	[sflag:s22] =	ssyncset.done $0x0  }
0xa0: {  	[sflag:s22] =	ssyncadd.s32 s4;
	_ =	sdelay $0x1  }
0xa1: {  	s23 =	simm.s32 $0x1B8B  }
0xa2: {  	_ =	swait.ge [sflag:s23], $0x1  }
0xa3: {  	[sflag:s23] =	ssyncset.done $0x0  }
0xa4: {  	s25 =	simm.s32 $0x1B8E;
	s24 =	sld [smem:$0x3FFE];
	[sflag:s23] =	ssyncadd.s32 $0xFFFFFFFF  }
0xa5: {  	s26 =	simm.s32 $execute0_lowered;
	[smem:$0x3FD2] =	sst s25  }
0xa6: {  	s5 =	sshll.u32 s26, $0x1;
	_ =	strace $0x80000046;
	[dreg:$0x1] =	wrdreg $0xFFFFFFFF  }
0xa7: {  	s28 =	simm.s32 $_size_execute0_lowered;
	s3 =	sadd.s32 s3, s5;
	[dreg:$0x0] =	wrdreg $0x0  }
0xa8: {  	s5 =	sshll.u32 s28, $0x1;
	[dreg:$0x2] =	wrdreg s3  }
0xa9: {  	[dreg:$0x3] =	wrdreg s5  }
0xaa: {  	[dreg:$0x4] =	wrdreg $0xC0  }
0xab: {  	_ =	task [dreg:s7], $0x5FFFF  }
0xac: {  	[dreg:$0x1] =	wrdreg $0xFFFFFFFF  }
0xad: {  	[dreg:$0x0] =	wrdreg $0x60  }
0xae: {  	[dreg:$0x2] =	wrdreg s2  }
0xaf: {  	[dreg:$0x3] =	wrdreg s24  }
0xb0: {  	[dreg:$0x4] =	wrdreg $0x0  }
0xb1: {  	[dreg:$0x5] =	wrdreg $0x9  }
0xb2: {  	_ =	task.clear_ibuf [dreg:s7], $0x6FFFF;
	_ =	strace $0x90000046  }
0xb3: {  	s29 =	simm.s32 $0x9;
	_ =	strace $0x80000048  }
0xb4: {  	_ =	swait.ge [sflag:s29], $0x1  }
0xb5: {  	[sflag:s29] =	ssyncadd.s32 $0xFFFFFFFF  }
0xb6: {  	_ =	strace $0x90000048  }
0xb7: {  	_ =	sfence  }
0xb8: {  	s30 =	sld [smem:$0x0];
	_ =	sdelay $0x2  }
0xb9: {  	s31 =	sshll.u32 s1, $0xD;
	s1 =	sshrl.u32 s1, $0x2  }
0xba: {  	s3 =	sand.u32 $0x4000, s31;
	s1 =	sadd.s32 s1, s30  }
0xbb: {  	s0 =	sor.u32 s3, s0;
	s1 =	sshll.u32 s1, $0x11  }
0xbc: {  	s0 =	sor.u32 s1, s0  }
0xbd: {  	s0 =	sadd.s32 $0x8F2B, s0  }
0xbe: {  	[sflag:s0] =	ssyncadd.remote.s32 $0x1  }
0xbf: {  	_ =	sfence.sel $0xFFFF  }
0xc0: {  	[dreg:$0x0] =	wrdreg $0xFFFFFFFF;
	(pc) =	sbr.abs _section_cstart, $3  }
0xc1: {  	[dreg:$0x1] =	wrdreg $0xFFFFFFFF  }
0xc2: {  	_ =	task.clear_ibuf [dreg:s7], $0x2FFFF;
	_ =	strace $0x9FFFFFFF  }
0xc3: {  	(tm) =	ssettm $0x7FFFFFFF  }
tec
execute0_lowered:
.L_overlay_start_1:
0x0: {  	(tag) =	ssettag $0x1  }
0x1: {  	s7 =	rddreg [dreg:$0x0]  }
0x2: {  	s4 =	rddreg [dreg:$0x1];
	s1 =	srdreg.scid  }
0x3: {  	s0 =	stileid.u32;
	s2 =	rddreg [dreg:$0x2];
	s3 =	simm.s32 $0x0  }
0x4: {  	s11 =	simm.s32 $0x3E8;
	s12 =	simm.s32 $0xC7E8;
	s6 =	smul.u32 $0xC40, s0  }
0x5: {  	s13 =	simm.s32 $0x1CA68;
	s5 =	sand.u32 $0x1, s1;
	s10 =	smul.u32 $0x31000, s0  }
0x6: {  	s14 =	simm.s32 $0x0;
	s1 =	rddreg [dreg:$0x3];
	s8 =	smul.u32 $0xC400, s5  }
0x7: {  	[smem:$0x7FF] =	sst s3;
	s9 =	smul.u32 $0x61A80, s5;
	s5 =	ssub.s32 $0x2, s5  }
0x8: {  	s28 =	smul.u32 $0x61A8, s0;
	_ =	strace $0x80000047;
	s29 =	sshrl.u32 s5, $0x1  }
0x9: {  	s31 =	sshrl.u32 s10, $0x2;
	s10 =	simm.s32 $0xC400;
	s6 =	sadd.s32 s6, s8  }
0xa: {  	s8 =	sadd.s32 s28, s9;
	s30 =	ssub.s32 s5, s29;
	s6 =	sshrl.u32 s6, $0x3  }
0xb: {  	s9 =	simm.s32 $0x1;
	s8 =	sadd.s32 $0xC3500, s8;
	s6 =	sadd.s32 s6, s4  }
0xc: {  	v2 =	vlaneseq.u32;
	s4 =	sadd.s32 s31, s2;
	s8 =	sshrl.u32 s8, $0x3;
	s5 =	sadd.s32 $0x3000, s6  }
0xd: {  	v0 =	vimm.f32 $1.000000000e+00;
	v1 =	vimm.f32 $0.0e+00;
	v2 =	vmul.u32 $0x10, v2;
	s6 =	smax.u32 s30, $0x1;
	s7 =	sadd.s32 s8, s7;
	s8 =	simm.s32 $0x10668  }
.LBB2_1:
0xe: {  	s15 =	simm.s32 $0x0  }
.LBB2_2:
0xf: {  	p0 =	sne.s32 s15, $0xF9C0  }
.Ltmp0:
0x10: {  	_ = 	snop;
	(pc) =	sbr.rel @p0 .LBB2_2-.Ltmp0, $3  }
0x11: {  	_ =	sdelay $0x1  }
0x12: {  	s16 =	sshra.s32 s15, $0x2  }
0x13: {  	s15 =	sadd.s32 $0x40, s15;
	[tilespmem:s16+$0xC7E8] =	vst v0  }
0x14: {  	s15 =	simm.s32 $0x40;
	s16 =	simm.s32 $0x0  }
.LBB2_4:
0x15: {  	p0 =	sne.s32 s15, $0x30FC0;
	[tilespmem:s16+$0x10668] =	vst v1;
	s16 =	smov.u32 s15;
	s15 =	sadd.s32 $0x40, s15  }
.Ltmp1:
0x16: {  	(pc) =	sbr.rel @p0 .LBB2_4-.Ltmp1, $2  }
0x17: {  	_ =	sdelay $0x2  }
0x18: {  	s16 =	sshra.s32 s16, $0x2  }
0x19: {  	[tilespmem:s16+$0x10668] =	vst v1  }
0x1a: {  	[spmem:s4] =	stream.linear.scatter [tilespmem:s8], [sflag:$0x1], $0xC400, $0x38;
	[tilespmem:$0x1D6A8] =	vst v63  }
0x1b: {  	_ =	swait.ge [sflag:s9], $0xC400  }
0x1c: {  	[sflag:s9] =	ssyncset.done $0x0  }
0x1d: {  	[sflag:s9] =	ssyncadd.s32 $0xFFFF3C00  }
0x1e: {  	s15 =	sadd.s32 $0x0, s7;
	[bflag:$0x0] =	sbarrier.arrive $0xFFFF  }
0x1f: {  	[tilespmem:s10], [sflag:$0x1] =	stream.linear.gather [hbm4b:s15+s3], $0x3E8, $0x38;
	[tilespmem:$0x1D6A8] =	vst v63  }
0x20: {  	_ =	swait.ge [sflag:s9], $0x3E8  }
0x21: {  	[sflag:s9] =	ssyncset.done $0x0  }
0x22: {  	[sflag:s9] =	ssyncadd.s32 $0xFFFFFC18  }
0x23: {  	[spmem:s2] =	stream.indirect.scatter.add.f32 [tilespmem:s12], [sflag:$0x1], $0x10, s10, s11, $0xb8;
	[tilespmem:$0x1D6A8] =	vst v63  }
0x24: {  	_ =	swait.ge [sflag:s9], $0x3E80  }
0x25: {  	s16 =	simm.s32 $0xFA;
	s15 =	simm.s32 $0x7D;
	[sflag:s9] =	ssyncset.done $0x0  }
.LBB2_6:
0x26: {  	s17 =	sadd.s32 s15, s7  }
0x27: {  	[sflag:s9] =	ssyncadd.s32 $0xFFFFC180;
	s15 =	smov.u32 s16;
	s18 =	sadd.s32 $0x7D, s16  }
0x28: {  	[tilespmem:s10], [sflag:$0x1] =	stream.linear.gather [hbm4b:s17+s3], $0x3E8, $0x38;
	[tilespmem:$0x1D6A8] =	vst v63  }
0x29: {  	p0 =	sne.s32 s16, $0xBB8;
	_ =	swait.ge [sflag:s9], $0x3E8  }
.Ltmp2:
0x2a: {  	[sflag:s9] =	ssyncset.done $0x0;
	(pc) =	sbr.rel @p0 .LBB2_6-.Ltmp2, $4  }
0x2b: {  	[sflag:s9] =	ssyncadd.s32 $0xFFFFFC18  }
0x2c: {  	[spmem:s2] =	stream.indirect.scatter.add.f32 [tilespmem:s12], [sflag:$0x1], $0x10, s10, s11, $0xb8;
	[tilespmem:$0x1D6A8] =	vst v63  }
0x2d: {  	_ =	swait.ge [sflag:s9], $0x3E80  }
0x2e: {  	s16 =	smov.u32 s18;
	[sflag:s9] =	ssyncset.done $0x0  }
0x2f: {  	s15 =	sadd.s32 s15, s7;
	[sflag:s9] =	ssyncadd.s32 $0xFFFFC180  }
0x30: {  	[tilespmem:s10], [sflag:$0x1] =	stream.linear.gather [hbm4b:s15+s3], $0x3E8, $0x38;
	[tilespmem:$0x1D6A8] =	vst v63  }
0x31: {  	_ =	swait.ge [sflag:s9], $0x3E8  }
0x32: {  	[sflag:s9] =	ssyncset.done $0x0  }
0x33: {  	[sflag:s9] =	ssyncadd.s32 $0xFFFFFC18  }
0x34: {  	[spmem:s2] =	stream.indirect.scatter.add.f32 [tilespmem:s12], [sflag:$0x1], $0x10, s10, s11, $0xb8;
	[tilespmem:$0x1D6A8] =	vst v63  }
0x35: {  	s30 =	simm.s32 $0x0;
	_ =	swait.ge [sflag:s9], $0x3E80  }
0x36: {  	v3 =	vmov s30;
	[sflag:s9] =	ssyncset.done $0x0  }
0x37: {  	v3 =	vshll.u32 v3, $0x4;
	[sflag:s9] =	ssyncadd.s32 $0xFFFFC180  }
0x38: {  	v3 =	vor.u32 v2, v3;
	[bflag:$0x0] =	sbarrier.arrive $0xFFFF  }
0x39: {  	[tilespmem:s8], [sflag:$0x1] =	stream.linear.gather [spmem:s4], $0xC400, $0x38;
	[tilespmem:$0x1D6A8] =	vst v63  }
0x3a: {  	_ =	swait.ge [sflag:s9], $0xC400  }
0x3b: {  	s31 =	simm.s32 $0x10;
	[sflag:s9] =	ssyncset.done $0x0  }
0x3c: {  	v4 =	vmov s31;
	[sflag:s9] =	ssyncadd.s32 $0xFFFF3C00  }
0x3d: {  	v4 =	vshll.u32 v4, $0x4;
	v3 =	vld.idx.msk [tilespmem:v3+s8+$0x0], $0xffff  }
0x3e: {  	v5 =	vor.u32 v2, v4;
	_ =	sdelay $0x2  }
0x3f: {  	s15 =	simm.s32 $0x1CA68  }
0x40: {  	s16 =	simm.s32 $0x20;
	[tilespmem:s15+$0x0] =	vst v3  }
0x41: {  	v4 =	vmov s16;
	s16 =	simm.s32 $0x30;
	v3 =	vld.idx.msk [tilespmem:v5+s8+$0x0], $0xffff  }
.LBB2_8:
0x42: {  	p0 =	sne.s32 s16, $0xC30;
	v4 =	vshll.u32 v4, $0x4  }
0x43: {  	v5 =	vor.u32 v2, v4  }
.Ltmp3:
0x44: {  	(pc) =	sbr.rel @p0 .LBB2_8-.Ltmp3, $4  }
0x45: {  	_ = 	snop  }
0x46: {  	s15 =	sadd.s32 $0x10, s15  }
0x47: {  	[tilespmem:s15+$0x0] =	vst v3  }
0x48: {  	v4 =	vmov s16;
	s16 =	sadd.s32 $0x10, s16;
	v3 =	vld.idx.msk [tilespmem:v5+s8+$0x0], $0xffff  }
0x49: {  	v4 =	vshll.u32 v4, $0x4  }
0x4a: {  	v4 =	vor.u32 v2, v4;
	_ =	sdelay $0x2  }
0x4b: {  	s15 =	sadd.s32 $0x10, s15  }
0x4c: {  	[tilespmem:s15+$0x0] =	vst v3  }
0x4d: {  	v3 =	vld.idx.msk [tilespmem:v4+s8+$0x0], $0xffff;
	_ =	sdelay $0x2  }
0x4e: {  	s14 =	sadd.s32 $0x1, s14  }
0x4f: {  	p0 =	sne.s32 s14, s6;
	s15 =	sadd.s32 $0x10, s15  }
.Ltmp4:
0x50: {  	[tilespmem:s15+$0x0] =	vst v3;
	(pc) =	sbr.rel @p0 .LBB2_1-.Ltmp4, $4  }
0x51: {  	[hbm4b:s5+s3] =	stream.linear.scatter [tilespmem:s13], [sflag:$0x1], $0xC40, $0x38;
	[tilespmem:$0x1D6A8] =	vst v63  }
0x52: {  	_ =	swait.ge [sflag:s9], $0xC40  }
0x53: {  	[sflag:s9] =	ssyncset.done $0x0  }
0x54: {  	[sflag:s9] =	ssyncadd.s32 $0xFFFFF3C0  }
0x55: {  	_ =	sfence.sel $0x180000  }
0x56: {  	[bflag:$0x0] =	sbarrier.arrive $0xFFFF  }
0x57: {  	p0 =	sne.s32 s0, $0x0;
	_ =	strace $0x90000047  }
0x58: {  	s0 =	sadd.s32 @!p0 $0x100000, s1;
	[bflag:$0x2] =	sbarrier.arrive $0xFFFF  }
0x59: {  	[sflag:s0] =	ssyncadd.tile.s32 @!p0 $0x1;
	_ =	shalt  }
.Lfunc_end2:
_tile_overlayer_lowered:
.L_overlay_start_2:
0x5a: {  	(tag) =	ssettag $0x2  }
0x5b: {  	s0 =	rddreg [dreg:$0x0];
	s2 =	stileid.u32  }
0x5c: {  	s1 =	rddreg [dreg:$0x1];
	p0 =	sne.s32 s2, $0x0  }
0x5d: {  	s3 =	rddreg [dreg:$0x2];
	[bflag:$0x3] =	sbarrier.arrive $0xFFFF;
	s2 =	simm.s32 @!p0 $0x1C01  }
0x5e: {  	[timem:s3], [sflag:s2] =	dma.local @!p0 [hbm:s0], s1  }
0x5f: {  	s0 =	simm.s32 @!p0 $0x1  }
0x60: {  	_ =	swait.ge @!p0 [sflag:s0], s1  }
0x61: {  	s1 =	ssub.s32 @!p0 $0x0, s1;
	[sflag:s0] =	ssyncset.done @!p0 $0x0  }
0x62: {  	[sflag:s0] =	ssyncadd.s32 @!p0 s1  }
0x63: {  	[bflag:$0x3] =	sbarrier.arrive $0xFFFF  }
0x64: {  	_ =	shalt  }

</sc_bundles>
